<compile_context>
chip_gen: v7x
topology: tpu7x:2x2x1
jax: 0.10.2.dev20260603
libtpu: 0.0.44.dev20260713+nightly
codegen_flags: <defaults>
</compile_context>

<pallas_src>
import jax
import jax.numpy as jnp
from jax import lax
from jax.experimental import pallas as pl
from jax.experimental.pallas import tpu as pltpu
from jax.experimental.pallas import tpu_sc as plsc

_EMB = 32
_NC = 2
_NS = 16
_NW = _NC * _NS

_B = 16384 * 26
_BPW = _B // _NW
_C = 1664
_NCHUNK = _BPW // _C

_V = 1000000
_RCOLS = 16384
_RGRID = -(-_V // _RCOLS)


def _repack_body(wt_ref, o_ref):
    t3 = wt_ref[...].T.reshape(_RCOLS // 4, 4, _EMB)
    for q in range(4):
        o_ref[:, q * _EMB:(q + 1) * _EMB] = t3[:, q, :]


def _emb_body(x_hbm, w_hbm, out_hbm,
              idx0, idx1, rows0, rows1,
              si0, si1, sg0, sg1, ss0, ss1):
    idx = (idx0, idx1)
    rows = (rows0, rows1)
    si = (si0, si1)
    sg = (sg0, sg1)
    ss = (ss0, ss1)
    wid = lax.axis_index("s") * _NC + lax.axis_index("c")
    wbase = wid * _BPW

    def idx_copy(i):
        b = i % 2
        return pltpu.make_async_copy(
            x_hbm.at[pl.ds(wbase + i * _C, _C)], idx[b], si[b])

    def gather_copy(i):
        b = i % 2
        return pltpu.make_async_copy(w_hbm.at[idx[b]], rows[b], sg[b])

    def store_copy(i):
        b = i % 2
        return pltpu.make_async_copy(
            rows[b], out_hbm.at[pl.ds(wbase + i * _C, _C)], ss[b])

    idx_copy(0).start()
    idx_copy(1).start()
    for i in range(_NCHUNK):
        idx_copy(i).wait()
        if i >= 2:
            store_copy(i - 2).wait()
        gather_copy(i).start()
        gather_copy(i).wait()
        store_copy(i).start()
        if i + 2 < _NCHUNK:
            idx_copy(i + 2).start()
    store_copy(_NCHUNK - 2).wait()
    store_copy(_NCHUNK - 1).wait()


def kernel(x, weight):
    bb, ff = x.shape
    xf = x.reshape(bb * ff).astype(jnp.int32)

    wt = weight.T
    wl4 = pl.pallas_call(
        _repack_body,
        grid=(_RGRID,),
        in_specs=[pl.BlockSpec((_EMB, _RCOLS), lambda i: (0, i))],
        out_specs=pl.BlockSpec((_RCOLS // 4, 4 * _EMB), lambda i: (i, 0)),
        out_shape=jax.ShapeDtypeStruct((_V // 4, 4 * _EMB), jnp.float32),
    )(wt)
    wl4 = lax.optimization_barrier(wl4)
    wl = wl4.reshape(_V, _EMB)

    run = pl.kernel(
        _emb_body,
        out_type=jax.ShapeDtypeStruct((bb * ff, _EMB), jnp.float32),
        mesh=plsc.VectorSubcoreMesh(core_axis_name="c", subcore_axis_name="s"),
        compiler_params=pltpu.CompilerParams(use_tc_tiling_on_sc=False),
        scratch_types=[
            pltpu.VMEM((_C,), jnp.int32),
            pltpu.VMEM((_C,), jnp.int32),
            pltpu.VMEM((_C, _EMB), jnp.float32),
            pltpu.VMEM((_C, _EMB), jnp.float32),
            pltpu.SemaphoreType.DMA,
            pltpu.SemaphoreType.DMA,
            pltpu.SemaphoreType.DMA,
            pltpu.SemaphoreType.DMA,
            pltpu.SemaphoreType.DMA,
            pltpu.SemaphoreType.DMA,
        ],
    )
    out = run(xf, wl)
    return out.reshape(bb, ff, _EMB)

# --- scband reference (transcript-rebuilt; emitter-appended) ---
"""Pipeline reference for scband-embedding-64364379898322 (READ-ONLY COPY).

The authoritative reference and input builder live on the scoring server;
editing this copy changes nothing except your own understanding.
"""

import jax, jax.numpy as jnp
import numpy as np

VOCAB = 1000000
EMB = 32
BATCH = 16384
FIELDS = 26

def setup_inputs(seed: int = 0) -> dict:
    key = jax.random.key(seed)
    k_idx, k_w = jax.random.split(key)
    x = jax.random.randint(k_idx, (BATCH, FIELDS), 0, VOCAB, dtype=jnp.int64 if jax.config.jax_enable_x64 else jnp.int32)
    weight = jax.random.normal(k_w, (VOCAB, EMB), dtype=jnp.float32) * (1.0 / EMB ** 0.5)
    return {"x": x, "weight": weight}

def reference(x, weight):
    # Faithful translation of: return self.weight[x]
    return jnp.take(weight, x, axis=0)

if __name__ == "__main__":
    import jax
    _d = setup_inputs()
    print(jax.jit(kernel)(*tuple(_d.values())))

</pallas_src>

<mosaic_0001>
#map = affine_map<(d0, d1) -> (0)>
#map1 = affine_map<(d0, d1) -> (0, 0)>
module attributes {stable_mosaic.version = 14 : i64} {
  func.func @_emb_body(%arg0: i32, %arg1: i32, %arg2: memref<425984xi32, #tpu.memory_space<hbm>>, %arg3: memref<1000000x32xf32, #tpu.memory_space<hbm>>, %arg4: memref<425984x32xf32, #tpu.memory_space<hbm>>, %arg5: memref<1664xi32, #tpu.memory_space<vmem>>, %arg6: memref<1664xi32, #tpu.memory_space<vmem>>, %arg7: memref<1664x32xf32, #tpu.memory_space<vmem>>, %arg8: memref<1664x32xf32, #tpu.memory_space<vmem>>, %arg9: memref<!tpu.dma_semaphore, #tpu.memory_space<semaphore_mem>>, %arg10: memref<!tpu.dma_semaphore, #tpu.memory_space<semaphore_mem>>, %arg11: memref<!tpu.dma_semaphore, #tpu.memory_space<semaphore_mem>>, %arg12: memref<!tpu.dma_semaphore, #tpu.memory_space<semaphore_mem>>, %arg13: memref<!tpu.dma_semaphore, #tpu.memory_space<semaphore_mem>>, %arg14: memref<!tpu.dma_semaphore, #tpu.memory_space<semaphore_mem>>) attributes {dimension_semantics = [#tpu.dimension_semantics<core_parallel>, #tpu.dimension_semantics<subcore_parallel>], iteration_bounds = array<i64: 2, 16>, scalar_prefetch = 0 : i64, scratch_operands = 10 : i64, tpu.core_type = #tpu.core_type<sc_vector_subcore>, window_params = [{transform_indices = #map}, {transform_indices = #map1}, {transform_indices = #map1}]} {
    %mul3A = arith.constant 2 : i32
    %mul3A_0 = arith.muli %arg1, %mul3A : i32
    %add3A = arith.addi %mul3A_0, %arg0 : i32
    %mul3A_1 = arith.constant 13312 : i32
    %mul3A_2 = arith.muli %add3A, %mul3A_1 : i32
    %add3A_3 = arith.constant 0 : i32
    %add3A_4 = arith.addi %mul3A_2, %add3A_3 : i32
    %dma_start3A = tpu.memref_slice %arg2[%add3A_4] : memref<425984xi32, #tpu.memory_space<hbm>> -> memref<1664xi32, #tpu.memory_space<hbm>>
    %dma_start3A_5 = tpu.memref_slice %arg2[%add3A_4] : memref<425984xi32, #tpu.memory_space<hbm>> -> memref<1664xi32, #tpu.memory_space<hbm>>
    tpu.enqueue_dma source(%dma_start3A_5 : memref<1664xi32, #tpu.memory_space<hbm>>) target(%arg5 : memref<1664xi32, #tpu.memory_space<vmem>>) target_semaphore(%arg9 : memref<!tpu.dma_semaphore, #tpu.memory_space<semaphore_mem>>)
    %add3A_6 = arith.constant 1664 : i32
    %add3A_7 = arith.addi %mul3A_2, %add3A_6 : i32
    %dma_start3A_8 = tpu.memref_slice %arg2[%add3A_7] : memref<425984xi32, #tpu.memory_space<hbm>> -> memref<1664xi32, #tpu.memory_space<hbm>>
    %dma_start3A_9 = tpu.memref_slice %arg2[%add3A_7] : memref<425984xi32, #tpu.memory_space<hbm>> -> memref<1664xi32, #tpu.memory_space<hbm>>
    tpu.enqueue_dma source(%dma_start3A_9 : memref<1664xi32, #tpu.memory_space<hbm>>) target(%arg6 : memref<1664xi32, #tpu.memory_space<vmem>>) target_semaphore(%arg10 : memref<!tpu.dma_semaphore, #tpu.memory_space<semaphore_mem>>)
    %add3A_10 = arith.constant 0 : i32
    %add3A_11 = arith.addi %mul3A_2, %add3A_10 : i32
    %dma_wait3A = tpu.memref_slice %arg2[%add3A_11] : memref<425984xi32, #tpu.memory_space<hbm>> -> memref<1664xi32, #tpu.memory_space<hbm>>
    %dma_wait3A_12 = tpu.memref_slice %arg2[%add3A_11] : memref<425984xi32, #tpu.memory_space<hbm>> -> memref<1664xi32, #tpu.memory_space<hbm>>
    tpu.wait_dma2 semaphore(%arg9 : memref<!tpu.dma_semaphore, #tpu.memory_space<semaphore_mem>>) src(%dma_wait3A_12 : memref<1664xi32, #tpu.memory_space<hbm>>) dst(%arg5 : memref<1664xi32, #tpu.memory_space<vmem>>)
    %dma_start3A_13 = arith.constant 0 : i32
    %dma_start3A_14 = arith.constant 0 : i32
    %dma_start3A_15 = tpu.memref_slice %arg3[%dma_start3A_13, %dma_start3A_14] : memref<1000000x32xf32, #tpu.memory_space<hbm>> -> memref<1000000x32xf32, #tpu.memory_space<hbm>>
    tpu.enqueue_indirect_dma source(%dma_start3A_15 : memref<1000000x32xf32, #tpu.memory_space<hbm>>) target(%arg7 : memref<1664x32xf32, #tpu.memory_space<vmem>>) offsets(%arg5 : memref<1664xi32, #tpu.memory_space<vmem>>) semaphore(%arg11 : memref<!tpu.dma_semaphore, #tpu.memory_space<semaphore_mem>>)
    %dma_wait3A_16 = arith.constant 0 : i32
    %dma_wait3A_17 = arith.constant 0 : i32
    %dma_wait3A_18 = tpu.memref_slice %arg3[%dma_wait3A_16, %dma_wait3A_17] : memref<1000000x32xf32, #tpu.memory_space<hbm>> -> memref<1000000x32xf32, #tpu.memory_space<hbm>>
    tpu.wait_indirect_dma semaphore(%arg11 : memref<!tpu.dma_semaphore, #tpu.memory_space<semaphore_mem>>) src(%dma_wait3A_18 : memref<1000000x32xf32, #tpu.memory_space<hbm>>) dst(%arg7 : memref<1664x32xf32, #tpu.memory_space<vmem>>)
    %add3A_19 = arith.constant 0 : i32
    %add3A_20 = arith.addi %mul3A_2, %add3A_19 : i32
    %dma_start3A_21 = arith.constant 0 : i32
    %dma_start3A_22 = tpu.memref_slice %arg4[%add3A_20, %dma_start3A_21] : memref<425984x32xf32, #tpu.memory_space<hbm>> -> memref<1664x32xf32, #tpu.memory_space<hbm>>
    %dma_start3A_23 = arith.constant 0 : i32
    %dma_start3A_24 = tpu.memref_slice %arg4[%add3A_20, %dma_start3A_23] : memref<425984x32xf32, #tpu.memory_space<hbm>> -> memref<1664x32xf32, #tpu.memory_space<hbm>>
    tpu.enqueue_dma source(%arg7 : memref<1664x32xf32, #tpu.memory_space<vmem>>) target(%dma_start3A_24 : memref<1664x32xf32, #tpu.memory_space<hbm>>) target_semaphore(%arg13 : memref<!tpu.dma_semaphore, #tpu.memory_space<semaphore_mem>>)
    %add3A_25 = arith.constant 3328 : i32
    %add3A_26 = arith.addi %mul3A_2, %add3A_25 : i32
    %dma_start3A_27 = tpu.memref_slice %arg2[%add3A_26] : memref<425984xi32, #tpu.memory_space<hbm>> -> memref<1664xi32, #tpu.memory_space<hbm>>
    %dma_start3A_28 = tpu.memref_slice %arg2[%add3A_26] : memref<425984xi32, #tpu.memory_space<hbm>> -> memref<1664xi32, #tpu.memory_space<hbm>>
    tpu.enqueue_dma source(%dma_start3A_28 : memref<1664xi32, #tpu.memory_space<hbm>>) target(%arg5 : memref<1664xi32, #tpu.memory_space<vmem>>) target_semaphore(%arg9 : memref<!tpu.dma_semaphore, #tpu.memory_space<semaphore_mem>>)
    %add3A_29 = arith.constant 1664 : i32
    %add3A_30 = arith.addi %mul3A_2, %add3A_29 : i32
    %dma_wait3A_31 = tpu.memref_slice %arg2[%add3A_30] : memref<425984xi32, #tpu.memory_space<hbm>> -> memref<1664xi32, #tpu.memory_space<hbm>>
    %dma_wait3A_32 = tpu.memref_slice %arg2[%add3A_30] : memref<425984xi32, #tpu.memory_space<hbm>> -> memref<1664xi32, #tpu.memory_space<hbm>>
    tpu.wait_dma2 semaphore(%arg10 : memref<!tpu.dma_semaphore, #tpu.memory_space<semaphore_mem>>) src(%dma_wait3A_32 : memref<1664xi32, #tpu.memory_space<hbm>>) dst(%arg6 : memref<1664xi32, #tpu.memory_space<vmem>>)
    %dma_start3A_33 = arith.constant 0 : i32
    %dma_start3A_34 = arith.constant 0 : i32
    %dma_start3A_35 = tpu.memref_slice %arg3[%dma_start3A_33, %dma_start3A_34] : memref<1000000x32xf32, #tpu.memory_space<hbm>> -> memref<1000000x32xf32, #tpu.memory_space<hbm>>
    tpu.enqueue_indirect_dma source(%dma_start3A_35 : memref<1000000x32xf32, #tpu.memory_space<hbm>>) target(%arg8 : memref<1664x32xf32, #tpu.memory_space<vmem>>) offsets(%arg6 : memref<1664xi32, #tpu.memory_space<vmem>>) semaphore(%arg12 : memref<!tpu.dma_semaphore, #tpu.memory_space<semaphore_mem>>)
    %dma_wait3A_36 = arith.constant 0 : i32
    %dma_wait3A_37 = arith.constant 0 : i32
    %dma_wait3A_38 = tpu.memref_slice %arg3[%dma_wait3A_36, %dma_wait3A_37] : memref<1000000x32xf32, #tpu.memory_space<hbm>> -> memref<1000000x32xf32, #tpu.memory_space<hbm>>
    tpu.wait_indirect_dma semaphore(%arg12 : memref<!tpu.dma_semaphore, #tpu.memory_space<semaphore_mem>>) src(%dma_wait3A_38 : memref<1000000x32xf32, #tpu.memory_space<hbm>>) dst(%arg8 : memref<1664x32xf32, #tpu.memory_space<vmem>>)
    %add3A_39 = arith.constant 1664 : i32
    %add3A_40 = arith.addi %mul3A_2, %add3A_39 : i32
    %dma_start3A_41 = arith.constant 0 : i32
    %dma_start3A_42 = tpu.memref_slice %arg4[%add3A_40, %dma_start3A_41] : memref<425984x32xf32, #tpu.memory_space<hbm>> -> memref<1664x32xf32, #tpu.memory_space<hbm>>
    %dma_start3A_43 = arith.constant 0 : i32
    %dma_start3A_44 = tpu.memref_slice %arg4[%add3A_40, %dma_start3A_43] : memref<425984x32xf32, #tpu.memory_space<hbm>> -> memref<1664x32xf32, #tpu.memory_space<hbm>>
    tpu.enqueue_dma source(%arg8 : memref<1664x32xf32, #tpu.memory_space<vmem>>) target(%dma_start3A_44 : memref<1664x32xf32, #tpu.memory_space<hbm>>) target_semaphore(%arg14 : memref<!tpu.dma_semaphore, #tpu.memory_space<semaphore_mem>>)
    %add3A_45 = arith.constant 4992 : i32
    %add3A_46 = arith.addi %mul3A_2, %add3A_45 : i32
    %dma_start3A_47 = tpu.memref_slice %arg2[%add3A_46] : memref<425984xi32, #tpu.memory_space<hbm>> -> memref<1664xi32, #tpu.memory_space<hbm>>
    %dma_start3A_48 = tpu.memref_slice %arg2[%add3A_46] : memref<425984xi32, #tpu.memory_space<hbm>> -> memref<1664xi32, #tpu.memory_space<hbm>>
    tpu.enqueue_dma source(%dma_start3A_48 : memref<1664xi32, #tpu.memory_space<hbm>>) target(%arg6 : memref<1664xi32, #tpu.memory_space<vmem>>) target_semaphore(%arg10 : memref<!tpu.dma_semaphore, #tpu.memory_space<semaphore_mem>>)
    %add3A_49 = arith.constant 3328 : i32
    %add3A_50 = arith.addi %mul3A_2, %add3A_49 : i32
    %dma_wait3A_51 = tpu.memref_slice %arg2[%add3A_50] : memref<425984xi32, #tpu.memory_space<hbm>> -> memref<1664xi32, #tpu.memory_space<hbm>>
    %dma_wait3A_52 = tpu.memref_slice %arg2[%add3A_50] : memref<425984xi32, #tpu.memory_space<hbm>> -> memref<1664xi32, #tpu.memory_space<hbm>>
    tpu.wait_dma2 semaphore(%arg9 : memref<!tpu.dma_semaphore, #tpu.memory_space<semaphore_mem>>) src(%dma_wait3A_52 : memref<1664xi32, #tpu.memory_space<hbm>>) dst(%arg5 : memref<1664xi32, #tpu.memory_space<vmem>>)
    %add3A_53 = arith.constant 0 : i32
    %add3A_54 = arith.addi %mul3A_2, %add3A_53 : i32
    %dma_wait3A_55 = arith.constant 0 : i32
    %dma_wait3A_56 = tpu.memref_slice %arg4[%add3A_54, %dma_wait3A_55] : memref<425984x32xf32, #tpu.memory_space<hbm>> -> memref<1664x32xf32, #tpu.memory_space<hbm>>
    %dma_wait3A_57 = arith.constant 0 : i32
    %dma_wait3A_58 = tpu.memref_slice %arg4[%add3A_54, %dma_wait3A_57] : memref<425984x32xf32, #tpu.memory_space<hbm>> -> memref<1664x32xf32, #tpu.memory_space<hbm>>
    tpu.wait_dma2 semaphore(%arg13 : memref<!tpu.dma_semaphore, #tpu.memory_space<semaphore_mem>>) src(%arg7 : memref<1664x32xf32, #tpu.memory_space<vmem>>) dst(%dma_wait3A_58 : memref<1664x32xf32, #tpu.memory_space<hbm>>)
    %dma_start3A_59 = arith.constant 0 : i32
    %dma_start3A_60 = arith.constant 0 : i32
    %dma_start3A_61 = tpu.memref_slice %arg3[%dma_start3A_59, %dma_start3A_60] : memref<1000000x32xf32, #tpu.memory_space<hbm>> -> memref<1000000x32xf32, #tpu.memory_space<hbm>>
    tpu.enqueue_indirect_dma source(%dma_start3A_61 : memref<1000000x32xf32, #tpu.memory_space<hbm>>) target(%arg7 : memref<1664x32xf32, #tpu.memory_space<vmem>>) offsets(%arg5 : memref<1664xi32, #tpu.memory_space<vmem>>) semaphore(%arg11 : memref<!tpu.dma_semaphore, #tpu.memory_space<semaphore_mem>>)
    %dma_wait3A_62 = arith.constant 0 : i32
    %dma_wait3A_63 = arith.constant 0 : i32
    %dma_wait3A_64 = tpu.memref_slice %arg3[%dma_wait3A_62, %dma_wait3A_63] : memref<1000000x32xf32, #tpu.memory_space<hbm>> -> memref<1000000x32xf32, #tpu.memory_space<hbm>>
    tpu.wait_indirect_dma semaphore(%arg11 : memref<!tpu.dma_semaphore, #tpu.memory_space<semaphore_mem>>) src(%dma_wait3A_64 : memref<1000000x32xf32, #tpu.memory_space<hbm>>) dst(%arg7 : memref<1664x32xf32, #tpu.memory_space<vmem>>)
    %add3A_65 = arith.constant 3328 : i32
    %add3A_66 = arith.addi %mul3A_2, %add3A_65 : i32
    %dma_start3A_67 = arith.constant 0 : i32
    %dma_start3A_68 = tpu.memref_slice %arg4[%add3A_66, %dma_start3A_67] : memref<425984x32xf32, #tpu.memory_space<hbm>> -> memref<1664x32xf32, #tpu.memory_space<hbm>>
    %dma_start3A_69 = arith.constant 0 : i32
    %dma_start3A_70 = tpu.memref_slice %arg4[%add3A_66, %dma_start3A_69] : memref<425984x32xf32, #tpu.memory_space<hbm>> -> memref<1664x32xf32, #tpu.memory_space<hbm>>
    tpu.enqueue_dma source(%arg7 : memref<1664x32xf32, #tpu.memory_space<vmem>>) target(%dma_start3A_70 : memref<1664x32xf32, #tpu.memory_space<hbm>>) target_semaphore(%arg13 : memref<!tpu.dma_semaphore, #tpu.memory_space<semaphore_mem>>)
    %add3A_71 = arith.constant 6656 : i32
    %add3A_72 = arith.addi %mul3A_2, %add3A_71 : i32
    %dma_start3A_73 = tpu.memref_slice %arg2[%add3A_72] : memref<425984xi32, #tpu.memory_space<hbm>> -> memref<1664xi32, #tpu.memory_space<hbm>>
    %dma_start3A_74 = tpu.memref_slice %arg2[%add3A_72] : memref<425984xi32, #tpu.memory_space<hbm>> -> memref<1664xi32, #tpu.memory_space<hbm>>
    tpu.enqueue_dma source(%dma_start3A_74 : memref<1664xi32, #tpu.memory_space<hbm>>) target(%arg5 : memref<1664xi32, #tpu.memory_space<vmem>>) target_semaphore(%arg9 : memref<!tpu.dma_semaphore, #tpu.memory_space<semaphore_mem>>)
    %add3A_75 = arith.constant 4992 : i32
    %add3A_76 = arith.addi %mul3A_2, %add3A_75 : i32
    %dma_wait3A_77 = tpu.memref_slice %arg2[%add3A_76] : memref<425984xi32, #tpu.memory_space<hbm>> -> memref<1664xi32, #tpu.memory_space<hbm>>
    %dma_wait3A_78 = tpu.memref_slice %arg2[%add3A_76] : memref<425984xi32, #tpu.memory_space<hbm>> -> memref<1664xi32, #tpu.memory_space<hbm>>
    tpu.wait_dma2 semaphore(%arg10 : memref<!tpu.dma_semaphore, #tpu.memory_space<semaphore_mem>>) src(%dma_wait3A_78 : memref<1664xi32, #tpu.memory_space<hbm>>) dst(%arg6 : memref<1664xi32, #tpu.memory_space<vmem>>)
    %add3A_79 = arith.constant 1664 : i32
    %add3A_80 = arith.addi %mul3A_2, %add3A_79 : i32
    %dma_wait3A_81 = arith.constant 0 : i32
    %dma_wait3A_82 = tpu.memref_slice %arg4[%add3A_80, %dma_wait3A_81] : memref<425984x32xf32, #tpu.memory_space<hbm>> -> memref<1664x32xf32, #tpu.memory_space<hbm>>
    %dma_wait3A_83 = arith.constant 0 : i32
    %dma_wait3A_84 = tpu.memref_slice %arg4[%add3A_80, %dma_wait3A_83] : memref<425984x32xf32, #tpu.memory_space<hbm>> -> memref<1664x32xf32, #tpu.memory_space<hbm>>
    tpu.wait_dma2 semaphore(%arg14 : memref<!tpu.dma_semaphore, #tpu.memory_space<semaphore_mem>>) src(%arg8 : memref<1664x32xf32, #tpu.memory_space<vmem>>) dst(%dma_wait3A_84 : memref<1664x32xf32, #tpu.memory_space<hbm>>)
    %dma_start3A_85 = arith.constant 0 : i32
    %dma_start3A_86 = arith.constant 0 : i32
    %dma_start3A_87 = tpu.memref_slice %arg3[%dma_start3A_85, %dma_start3A_86] : memref<1000000x32xf32, #tpu.memory_space<hbm>> -> memref<1000000x32xf32, #tpu.memory_space<hbm>>
    tpu.enqueue_indirect_dma source(%dma_start3A_87 : memref<1000000x32xf32, #tpu.memory_space<hbm>>) target(%arg8 : memref<1664x32xf32, #tpu.memory_space<vmem>>) offsets(%arg6 : memref<1664xi32, #tpu.memory_space<vmem>>) semaphore(%arg12 : memref<!tpu.dma_semaphore, #tpu.memory_space<semaphore_mem>>)
    %dma_wait3A_88 = arith.constant 0 : i32
    %dma_wait3A_89 = arith.constant 0 : i32
    %dma_wait3A_90 = tpu.memref_slice %arg3[%dma_wait3A_88, %dma_wait3A_89] : memref<1000000x32xf32, #tpu.memory_space<hbm>> -> memref<1000000x32xf32, #tpu.memory_space<hbm>>
    tpu.wait_indirect_dma semaphore(%arg12 : memref<!tpu.dma_semaphore, #tpu.memory_space<semaphore_mem>>) src(%dma_wait3A_90 : memref<1000000x32xf32, #tpu.memory_space<hbm>>) dst(%arg8 : memref<1664x32xf32, #tpu.memory_space<vmem>>)
    %add3A_91 = arith.constant 4992 : i32
    %add3A_92 = arith.addi %mul3A_2, %add3A_91 : i32
    %dma_start3A_93 = arith.constant 0 : i32
    %dma_start3A_94 = tpu.memref_slice %arg4[%add3A_92, %dma_start3A_93] : memref<425984x32xf32, #tpu.memory_space<hbm>> -> memref<1664x32xf32, #tpu.memory_space<hbm>>
    %dma_start3A_95 = arith.constant 0 : i32
    %dma_start3A_96 = tpu.memref_slice %arg4[%add3A_92, %dma_start3A_95] : memref<425984x32xf32, #tpu.memory_space<hbm>> -> memref<1664x32xf32, #tpu.memory_space<hbm>>
    tpu.enqueue_dma source(%arg8 : memref<1664x32xf32, #tpu.memory_space<vmem>>) target(%dma_start3A_96 : memref<1664x32xf32, #tpu.memory_space<hbm>>) target_semaphore(%arg14 : memref<!tpu.dma_semaphore, #tpu.memory_space<semaphore_mem>>)
    %add3A_97 = arith.constant 8320 : i32
    %add3A_98 = arith.addi %mul3A_2, %add3A_97 : i32
    %dma_start3A_99 = tpu.memref_slice %arg2[%add3A_98] : memref<425984xi32, #tpu.memory_space<hbm>> -> memref<1664xi32, #tpu.memory_space<hbm>>
    %dma_start3A_100 = tpu.memref_slice %arg2[%add3A_98] : memref<425984xi32, #tpu.memory_space<hbm>> -> memref<1664xi32, #tpu.memory_space<hbm>>
    tpu.enqueue_dma source(%dma_start3A_100 : memref<1664xi32, #tpu.memory_space<hbm>>) target(%arg6 : memref<1664xi32, #tpu.memory_space<vmem>>) target_semaphore(%arg10 : memref<!tpu.dma_semaphore, #tpu.memory_space<semaphore_mem>>)
    %add3A_101 = arith.constant 6656 : i32
    %add3A_102 = arith.addi %mul3A_2, %add3A_101 : i32
    %dma_wait3A_103 = tpu.memref_slice %arg2[%add3A_102] : memref<425984xi32, #tpu.memory_space<hbm>> -> memref<1664xi32, #tpu.memory_space<hbm>>
    %dma_wait3A_104 = tpu.memref_slice %arg2[%add3A_102] : memref<425984xi32, #tpu.memory_space<hbm>> -> memref<1664xi32, #tpu.memory_space<hbm>>
    tpu.wait_dma2 semaphore(%arg9 : memref<!tpu.dma_semaphore, #tpu.memory_space<semaphore_mem>>) src(%dma_wait3A_104 : memref<1664xi32, #tpu.memory_space<hbm>>) dst(%arg5 : memref<1664xi32, #tpu.memory_space<vmem>>)
    %add3A_105 = arith.constant 3328 : i32
    %add3A_106 = arith.addi %mul3A_2, %add3A_105 : i32
    %dma_wait3A_107 = arith.constant 0 : i32
    %dma_wait3A_108 = tpu.memref_slice %arg4[%add3A_106, %dma_wait3A_107] : memref<425984x32xf32, #tpu.memory_space<hbm>> -> memref<1664x32xf32, #tpu.memory_space<hbm>>
    %dma_wait3A_109 = arith.constant 0 : i32
    %dma_wait3A_110 = tpu.memref_slice %arg4[%add3A_106, %dma_wait3A_109] : memref<425984x32xf32, #tpu.memory_space<hbm>> -> memref<1664x32xf32, #tpu.memory_space<hbm>>
    tpu.wait_dma2 semaphore(%arg13 : memref<!tpu.dma_semaphore, #tpu.memory_space<semaphore_mem>>) src(%arg7 : memref<1664x32xf32, #tpu.memory_space<vmem>>) dst(%dma_wait3A_110 : memref<1664x32xf32, #tpu.memory_space<hbm>>)
    %dma_start3A_111 = arith.constant 0 : i32
    %dma_start3A_112 = arith.constant 0 : i32
    %dma_start3A_113 = tpu.memref_slice %arg3[%dma_start3A_111, %dma_start3A_112] : memref<1000000x32xf32, #tpu.memory_space<hbm>> -> memref<1000000x32xf32, #tpu.memory_space<hbm>>
    tpu.enqueue_indirect_dma source(%dma_start3A_113 : memref<1000000x32xf32, #tpu.memory_space<hbm>>) target(%arg7 : memref<1664x32xf32, #tpu.memory_space<vmem>>) offsets(%arg5 : memref<1664xi32, #tpu.memory_space<vmem>>) semaphore(%arg11 : memref<!tpu.dma_semaphore, #tpu.memory_space<semaphore_mem>>)
    %dma_wait3A_114 = arith.constant 0 : i32
    %dma_wait3A_115 = arith.constant 0 : i32
    %dma_wait3A_116 = tpu.memref_slice %arg3[%dma_wait3A_114, %dma_wait3A_115] : memref<1000000x32xf32, #tpu.memory_space<hbm>> -> memref<1000000x32xf32, #tpu.memory_space<hbm>>
    tpu.wait_indirect_dma semaphore(%arg11 : memref<!tpu.dma_semaphore, #tpu.memory_space<semaphore_mem>>) src(%dma_wait3A_116 : memref<1000000x32xf32, #tpu.memory_space<hbm>>) dst(%arg7 : memref<1664x32xf32, #tpu.memory_space<vmem>>)
    %add3A_117 = arith.constant 6656 : i32
    %add3A_118 = arith.addi %mul3A_2, %add3A_117 : i32
    %dma_start3A_119 = arith.constant 0 : i32
    %dma_start3A_120 = tpu.memref_slice %arg4[%add3A_118, %dma_start3A_119] : memref<425984x32xf32, #tpu.memory_space<hbm>> -> memref<1664x32xf32, #tpu.memory_space<hbm>>
    %dma_start3A_121 = arith.constant 0 : i32
    %dma_start3A_122 = tpu.memref_slice %arg4[%add3A_118, %dma_start3A_121] : memref<425984x32xf32, #tpu.memory_space<hbm>> -> memref<1664x32xf32, #tpu.memory_space<hbm>>
    tpu.enqueue_dma source(%arg7 : memref<1664x32xf32, #tpu.memory_space<vmem>>) target(%dma_start3A_122 : memref<1664x32xf32, #tpu.memory_space<hbm>>) target_semaphore(%arg13 : memref<!tpu.dma_semaphore, #tpu.memory_space<semaphore_mem>>)
    %add3A_123 = arith.constant 9984 : i32
    %add3A_124 = arith.addi %mul3A_2, %add3A_123 : i32
    %dma_start3A_125 = tpu.memref_slice %arg2[%add3A_124] : memref<425984xi32, #tpu.memory_space<hbm>> -> memref<1664xi32, #tpu.memory_space<hbm>>
    %dma_start3A_126 = tpu.memref_slice %arg2[%add3A_124] : memref<425984xi32, #tpu.memory_space<hbm>> -> memref<1664xi32, #tpu.memory_space<hbm>>
    tpu.enqueue_dma source(%dma_start3A_126 : memref<1664xi32, #tpu.memory_space<hbm>>) target(%arg5 : memref<1664xi32, #tpu.memory_space<vmem>>) target_semaphore(%arg9 : memref<!tpu.dma_semaphore, #tpu.memory_space<semaphore_mem>>)
    %add3A_127 = arith.constant 8320 : i32
    %add3A_128 = arith.addi %mul3A_2, %add3A_127 : i32
    %dma_wait3A_129 = tpu.memref_slice %arg2[%add3A_128] : memref<425984xi32, #tpu.memory_space<hbm>> -> memref<1664xi32, #tpu.memory_space<hbm>>
    %dma_wait3A_130 = tpu.memref_slice %arg2[%add3A_128] : memref<425984xi32, #tpu.memory_space<hbm>> -> memref<1664xi32, #tpu.memory_space<hbm>>
    tpu.wait_dma2 semaphore(%arg10 : memref<!tpu.dma_semaphore, #tpu.memory_space<semaphore_mem>>) src(%dma_wait3A_130 : memref<1664xi32, #tpu.memory_space<hbm>>) dst(%arg6 : memref<1664xi32, #tpu.memory_space<vmem>>)
    %add3A_131 = arith.constant 4992 : i32
    %add3A_132 = arith.addi %mul3A_2, %add3A_131 : i32
    %dma_wait3A_133 = arith.constant 0 : i32
    %dma_wait3A_134 = tpu.memref_slice %arg4[%add3A_132, %dma_wait3A_133] : memref<425984x32xf32, #tpu.memory_space<hbm>> -> memref<1664x32xf32, #tpu.memory_space<hbm>>
    %dma_wait3A_135 = arith.constant 0 : i32
    %dma_wait3A_136 = tpu.memref_slice %arg4[%add3A_132, %dma_wait3A_135] : memref<425984x32xf32, #tpu.memory_space<hbm>> -> memref<1664x32xf32, #tpu.memory_space<hbm>>
    tpu.wait_dma2 semaphore(%arg14 : memref<!tpu.dma_semaphore, #tpu.memory_space<semaphore_mem>>) src(%arg8 : memref<1664x32xf32, #tpu.memory_space<vmem>>) dst(%dma_wait3A_136 : memref<1664x32xf32, #tpu.memory_space<hbm>>)
    %dma_start3A_137 = arith.constant 0 : i32
    %dma_start3A_138 = arith.constant 0 : i32
    %dma_start3A_139 = tpu.memref_slice %arg3[%dma_start3A_137, %dma_start3A_138] : memref<1000000x32xf32, #tpu.memory_space<hbm>> -> memref<1000000x32xf32, #tpu.memory_space<hbm>>
    tpu.enqueue_indirect_dma source(%dma_start3A_139 : memref<1000000x32xf32, #tpu.memory_space<hbm>>) target(%arg8 : memref<1664x32xf32, #tpu.memory_space<vmem>>) offsets(%arg6 : memref<1664xi32, #tpu.memory_space<vmem>>) semaphore(%arg12 : memref<!tpu.dma_semaphore, #tpu.memory_space<semaphore_mem>>)
    %dma_wait3A_140 = arith.constant 0 : i32
    %dma_wait3A_141 = arith.constant 0 : i32
    %dma_wait3A_142 = tpu.memref_slice %arg3[%dma_wait3A_140, %dma_wait3A_141] : memref<1000000x32xf32, #tpu.memory_space<hbm>> -> memref<1000000x32xf32, #tpu.memory_space<hbm>>
    tpu.wait_indirect_dma semaphore(%arg12 : memref<!tpu.dma_semaphore, #tpu.memory_space<semaphore_mem>>) src(%dma_wait3A_142 : memref<1000000x32xf32, #tpu.memory_space<hbm>>) dst(%arg8 : memref<1664x32xf32, #tpu.memory_space<vmem>>)
    %add3A_143 = arith.constant 8320 : i32
    %add3A_144 = arith.addi %mul3A_2, %add3A_143 : i32
    %dma_start3A_145 = arith.constant 0 : i32
    %dma_start3A_146 = tpu.memref_slice %arg4[%add3A_144, %dma_start3A_145] : memref<425984x32xf32, #tpu.memory_space<hbm>> -> memref<1664x32xf32, #tpu.memory_space<hbm>>
    %dma_start3A_147 = arith.constant 0 : i32
    %dma_start3A_148 = tpu.memref_slice %arg4[%add3A_144, %dma_start3A_147] : memref<425984x32xf32, #tpu.memory_space<hbm>> -> memref<1664x32xf32, #tpu.memory_space<hbm>>
    tpu.enqueue_dma source(%arg8 : memref<1664x32xf32, #tpu.memory_space<vmem>>) target(%dma_start3A_148 : memref<1664x32xf32, #tpu.memory_space<hbm>>) target_semaphore(%arg14 : memref<!tpu.dma_semaphore, #tpu.memory_space<semaphore_mem>>)
    %add3A_149 = arith.constant 11648 : i32
    %add3A_150 = arith.addi %mul3A_2, %add3A_149 : i32
    %dma_start3A_151 = tpu.memref_slice %arg2[%add3A_150] : memref<425984xi32, #tpu.memory_space<hbm>> -> memref<1664xi32, #tpu.memory_space<hbm>>
    %dma_start3A_152 = tpu.memref_slice %arg2[%add3A_150] : memref<425984xi32, #tpu.memory_space<hbm>> -> memref<1664xi32, #tpu.memory_space<hbm>>
    tpu.enqueue_dma source(%dma_start3A_152 : memref<1664xi32, #tpu.memory_space<hbm>>) target(%arg6 : memref<1664xi32, #tpu.memory_space<vmem>>) target_semaphore(%arg10 : memref<!tpu.dma_semaphore, #tpu.memory_space<semaphore_mem>>)
    %add3A_153 = arith.constant 9984 : i32
    %add3A_154 = arith.addi %mul3A_2, %add3A_153 : i32
    %dma_wait3A_155 = tpu.memref_slice %arg2[%add3A_154] : memref<425984xi32, #tpu.memory_space<hbm>> -> memref<1664xi32, #tpu.memory_space<hbm>>
    %dma_wait3A_156 = tpu.memref_slice %arg2[%add3A_154] : memref<425984xi32, #tpu.memory_space<hbm>> -> memref<1664xi32, #tpu.memory_space<hbm>>
    tpu.wait_dma2 semaphore(%arg9 : memref<!tpu.dma_semaphore, #tpu.memory_space<semaphore_mem>>) src(%dma_wait3A_156 : memref<1664xi32, #tpu.memory_space<hbm>>) dst(%arg5 : memref<1664xi32, #tpu.memory_space<vmem>>)
    %add3A_157 = arith.constant 6656 : i32
    %add3A_158 = arith.addi %mul3A_2, %add3A_157 : i32
    %dma_wait3A_159 = arith.constant 0 : i32
    %dma_wait3A_160 = tpu.memref_slice %arg4[%add3A_158, %dma_wait3A_159] : memref<425984x32xf32, #tpu.memory_space<hbm>> -> memref<1664x32xf32, #tpu.memory_space<hbm>>
    %dma_wait3A_161 = arith.constant 0 : i32
    %dma_wait3A_162 = tpu.memref_slice %arg4[%add3A_158, %dma_wait3A_161] : memref<425984x32xf32, #tpu.memory_space<hbm>> -> memref<1664x32xf32, #tpu.memory_space<hbm>>
    tpu.wait_dma2 semaphore(%arg13 : memref<!tpu.dma_semaphore, #tpu.memory_space<semaphore_mem>>) src(%arg7 : memref<1664x32xf32, #tpu.memory_space<vmem>>) dst(%dma_wait3A_162 : memref<1664x32xf32, #tpu.memory_space<hbm>>)
    %dma_start3A_163 = arith.constant 0 : i32
    %dma_start3A_164 = arith.constant 0 : i32
    %dma_start3A_165 = tpu.memref_slice %arg3[%dma_start3A_163, %dma_start3A_164] : memref<1000000x32xf32, #tpu.memory_space<hbm>> -> memref<1000000x32xf32, #tpu.memory_space<hbm>>
    tpu.enqueue_indirect_dma source(%dma_start3A_165 : memref<1000000x32xf32, #tpu.memory_space<hbm>>) target(%arg7 : memref<1664x32xf32, #tpu.memory_space<vmem>>) offsets(%arg5 : memref<1664xi32, #tpu.memory_space<vmem>>) semaphore(%arg11 : memref<!tpu.dma_semaphore, #tpu.memory_space<semaphore_mem>>)
    %dma_wait3A_166 = arith.constant 0 : i32
    %dma_wait3A_167 = arith.constant 0 : i32
    %dma_wait3A_168 = tpu.memref_slice %arg3[%dma_wait3A_166, %dma_wait3A_167] : memref<1000000x32xf32, #tpu.memory_space<hbm>> -> memref<1000000x32xf32, #tpu.memory_space<hbm>>
    tpu.wait_indirect_dma semaphore(%arg11 : memref<!tpu.dma_semaphore, #tpu.memory_space<semaphore_mem>>) src(%dma_wait3A_168 : memref<1000000x32xf32, #tpu.memory_space<hbm>>) dst(%arg7 : memref<1664x32xf32, #tpu.memory_space<vmem>>)
    %add3A_169 = arith.constant 9984 : i32
    %add3A_170 = arith.addi %mul3A_2, %add3A_169 : i32
    %dma_start3A_171 = arith.constant 0 : i32
    %dma_start3A_172 = tpu.memref_slice %arg4[%add3A_170, %dma_start3A_171] : memref<425984x32xf32, #tpu.memory_space<hbm>> -> memref<1664x32xf32, #tpu.memory_space<hbm>>
    %dma_start3A_173 = arith.constant 0 : i32
    %dma_start3A_174 = tpu.memref_slice %arg4[%add3A_170, %dma_start3A_173] : memref<425984x32xf32, #tpu.memory_space<hbm>> -> memref<1664x32xf32, #tpu.memory_space<hbm>>
    tpu.enqueue_dma source(%arg7 : memref<1664x32xf32, #tpu.memory_space<vmem>>) target(%dma_start3A_174 : memref<1664x32xf32, #tpu.memory_space<hbm>>) target_semaphore(%arg13 : memref<!tpu.dma_semaphore, #tpu.memory_space<semaphore_mem>>)
    %add3A_175 = arith.constant 11648 : i32
    %add3A_176 = arith.addi %mul3A_2, %add3A_175 : i32
    %dma_wait3A_177 = tpu.memref_slice %arg2[%add3A_176] : memref<425984xi32, #tpu.memory_space<hbm>> -> memref<1664xi32, #tpu.memory_space<hbm>>
    %dma_wait3A_178 = tpu.memref_slice %arg2[%add3A_176] : memref<425984xi32, #tpu.memory_space<hbm>> -> memref<1664xi32, #tpu.memory_space<hbm>>
    tpu.wait_dma2 semaphore(%arg10 : memref<!tpu.dma_semaphore, #tpu.memory_space<semaphore_mem>>) src(%dma_wait3A_178 : memref<1664xi32, #tpu.memory_space<hbm>>) dst(%arg6 : memref<1664xi32, #tpu.memory_space<vmem>>)
    %add3A_179 = arith.constant 8320 : i32
    %add3A_180 = arith.addi %mul3A_2, %add3A_179 : i32
    %dma_wait3A_181 = arith.constant 0 : i32
    %dma_wait3A_182 = tpu.memref_slice %arg4[%add3A_180, %dma_wait3A_181] : memref<425984x32xf32, #tpu.memory_space<hbm>> -> memref<1664x32xf32, #tpu.memory_space<hbm>>
    %dma_wait3A_183 = arith.constant 0 : i32
    %dma_wait3A_184 = tpu.memref_slice %arg4[%add3A_180, %dma_wait3A_183] : memref<425984x32xf32, #tpu.memory_space<hbm>> -> memref<1664x32xf32, #tpu.memory_space<hbm>>
    tpu.wait_dma2 semaphore(%arg14 : memref<!tpu.dma_semaphore, #tpu.memory_space<semaphore_mem>>) src(%arg8 : memref<1664x32xf32, #tpu.memory_space<vmem>>) dst(%dma_wait3A_184 : memref<1664x32xf32, #tpu.memory_space<hbm>>)
    %dma_start3A_185 = arith.constant 0 : i32
    %dma_start3A_186 = arith.constant 0 : i32
    %dma_start3A_187 = tpu.memref_slice %arg3[%dma_start3A_185, %dma_start3A_186] : memref<1000000x32xf32, #tpu.memory_space<hbm>> -> memref<1000000x32xf32, #tpu.memory_space<hbm>>
    tpu.enqueue_indirect_dma source(%dma_start3A_187 : memref<1000000x32xf32, #tpu.memory_space<hbm>>) target(%arg8 : memref<1664x32xf32, #tpu.memory_space<vmem>>) offsets(%arg6 : memref<1664xi32, #tpu.memory_space<vmem>>) semaphore(%arg12 : memref<!tpu.dma_semaphore, #tpu.memory_space<semaphore_mem>>)
    %dma_wait3A_188 = arith.constant 0 : i32
    %dma_wait3A_189 = arith.constant 0 : i32
    %dma_wait3A_190 = tpu.memref_slice %arg3[%dma_wait3A_188, %dma_wait3A_189] : memref<1000000x32xf32, #tpu.memory_space<hbm>> -> memref<1000000x32xf32, #tpu.memory_space<hbm>>
    tpu.wait_indirect_dma semaphore(%arg12 : memref<!tpu.dma_semaphore, #tpu.memory_space<semaphore_mem>>) src(%dma_wait3A_190 : memref<1000000x32xf32, #tpu.memory_space<hbm>>) dst(%arg8 : memref<1664x32xf32, #tpu.memory_space<vmem>>)
    %add3A_191 = arith.constant 11648 : i32
    %add3A_192 = arith.addi %mul3A_2, %add3A_191 : i32
    %dma_start3A_193 = arith.constant 0 : i32
    %dma_start3A_194 = tpu.memref_slice %arg4[%add3A_192, %dma_start3A_193] : memref<425984x32xf32, #tpu.memory_space<hbm>> -> memref<1664x32xf32, #tpu.memory_space<hbm>>
    %dma_start3A_195 = arith.constant 0 : i32
    %dma_start3A_196 = tpu.memref_slice %arg4[%add3A_192, %dma_start3A_195] : memref<425984x32xf32, #tpu.memory_space<hbm>> -> memref<1664x32xf32, #tpu.memory_space<hbm>>
    tpu.enqueue_dma source(%arg8 : memref<1664x32xf32, #tpu.memory_space<vmem>>) target(%dma_start3A_196 : memref<1664x32xf32, #tpu.memory_space<hbm>>) target_semaphore(%arg14 : memref<!tpu.dma_semaphore, #tpu.memory_space<semaphore_mem>>)
    %add3A_197 = arith.constant 9984 : i32
    %add3A_198 = arith.addi %mul3A_2, %add3A_197 : i32
    %dma_wait3A_199 = arith.constant 0 : i32
    %dma_wait3A_200 = tpu.memref_slice %arg4[%add3A_198, %dma_wait3A_199] : memref<425984x32xf32, #tpu.memory_space<hbm>> -> memref<1664x32xf32, #tpu.memory_space<hbm>>
    %dma_wait3A_201 = arith.constant 0 : i32
    %dma_wait3A_202 = tpu.memref_slice %arg4[%add3A_198, %dma_wait3A_201] : memref<425984x32xf32, #tpu.memory_space<hbm>> -> memref<1664x32xf32, #tpu.memory_space<hbm>>
    tpu.wait_dma2 semaphore(%arg13 : memref<!tpu.dma_semaphore, #tpu.memory_space<semaphore_mem>>) src(%arg7 : memref<1664x32xf32, #tpu.memory_space<vmem>>) dst(%dma_wait3A_202 : memref<1664x32xf32, #tpu.memory_space<hbm>>)
    %add3A_203 = arith.constant 11648 : i32
    %add3A_204 = arith.addi %mul3A_2, %add3A_203 : i32
    %dma_wait3A_205 = arith.constant 0 : i32
    %dma_wait3A_206 = tpu.memref_slice %arg4[%add3A_204, %dma_wait3A_205] : memref<425984x32xf32, #tpu.memory_space<hbm>> -> memref<1664x32xf32, #tpu.memory_space<hbm>>
    %dma_wait3A_207 = arith.constant 0 : i32
    %dma_wait3A_208 = tpu.memref_slice %arg4[%add3A_204, %dma_wait3A_207] : memref<425984x32xf32, #tpu.memory_space<hbm>> -> memref<1664x32xf32, #tpu.memory_space<hbm>>
    tpu.wait_dma2 semaphore(%arg14 : memref<!tpu.dma_semaphore, #tpu.memory_space<semaphore_mem>>) src(%arg8 : memref<1664x32xf32, #tpu.memory_space<vmem>>) dst(%dma_wait3A_208 : memref<1664x32xf32, #tpu.memory_space<hbm>>)
    return
  }
}

module attributes {stable_mosaic.version = 14 : i64} {
  func.func @_repack_body(%arg0: i32, %arg1: memref<32x16384xf32, #tpu.memory_space<vmem>>, %arg2: memref<4096x128xf32, #tpu.memory_space<vmem>>) attributes {dimension_semantics = [#tpu.dimension_semantics<arbitrary>], iteration_bounds = array<i64: 62>, scalar_prefetch = 0 : i64, scratch_operands = 0 : i64, tpu.core_type = #tpu.core_type<tc>, window_params = [{transform_indices = @transform_0, window_bounds = array<i64: 32, 16384>}, {transform_indices = @transform_1, window_bounds = array<i64: 4096, 128>}]} {
    %get3A = arith.constant 0 : index
    %get3A_0 = arith.constant 0 : index
    %get3A_1 = vector.load %arg1[%get3A, %get3A_0] : memref<32x16384xf32, #tpu.memory_space<vmem>>, vector<32x16384xf32>
    %transpose3A = tpu.transpose %get3A_1, [1, 0] : vector<32x16384xf32> -> vector<16384x32xf32>
    %reshape3A = vector.shape_cast %transpose3A : vector<16384x32xf32> to vector<4096x4x32xf32>
    %slice3A = vector.extract_strided_slice %reshape3A {offsets = [0, 0, 0], sizes = [4096, 1, 32], strides = [1, 1, 1]} : vector<4096x4x32xf32> to vector<4096x1x32xf32>
    %squeeze3A = vector.shape_cast %slice3A : vector<4096x1x32xf32> to vector<4096x32xf32>
    %swap3A = arith.constant 0 : index
    %swap3A_2 = arith.constant 0 : index
    %swap3A_3 = vector.load %arg2[%swap3A, %swap3A_2] : memref<4096x128xf32, #tpu.memory_space<vmem>>, vector<4096x32xf32>
    tpu.vector_store %arg2[%swap3A, %swap3A_2], %squeeze3A {strides = array<i32>} : memref<4096x128xf32, #tpu.memory_space<vmem>>, vector<4096x32xf32>,
    %slice3A_4 = vector.extract_strided_slice %reshape3A {offsets = [0, 1, 0], sizes = [4096, 1, 32], strides = [1, 1, 1]} : vector<4096x4x32xf32> to vector<4096x1x32xf32>
    %squeeze3A_5 = vector.shape_cast %slice3A_4 : vector<4096x1x32xf32> to vector<4096x32xf32>
    %swap3A_6 = arith.constant 0 : index
    %swap3A_7 = arith.constant 32 : index
    %swap3A_8 = vector.load %arg2[%swap3A_6, %swap3A_7] : memref<4096x128xf32, #tpu.memory_space<vmem>>, vector<4096x32xf32>
    tpu.vector_store %arg2[%swap3A_6, %swap3A_7], %squeeze3A_5 {strides = array<i32>} : memref<4096x128xf32, #tpu.memory_space<vmem>>, vector<4096x32xf32>,
    %slice3A_9 = vector.extract_strided_slice %reshape3A {offsets = [0, 2, 0], sizes = [4096, 1, 32], strides = [1, 1, 1]} : vector<4096x4x32xf32> to vector<4096x1x32xf32>
    %squeeze3A_10 = vector.shape_cast %slice3A_9 : vector<4096x1x32xf32> to vector<4096x32xf32>
    %swap3A_11 = arith.constant 0 : index
    %swap3A_12 = arith.constant 64 : index
    %swap3A_13 = vector.load %arg2[%swap3A_11, %swap3A_12] : memref<4096x128xf32, #tpu.memory_space<vmem>>, vector<4096x32xf32>
    tpu.vector_store %arg2[%swap3A_11, %swap3A_12], %squeeze3A_10 {strides = array<i32>} : memref<4096x128xf32, #tpu.memory_space<vmem>>, vector<4096x32xf32>,
    %slice3A_14 = vector.extract_strided_slice %reshape3A {offsets = [0, 3, 0], sizes = [4096, 1, 32], strides = [1, 1, 1]} : vector<4096x4x32xf32> to vector<4096x1x32xf32>
    %squeeze3A_15 = vector.shape_cast %slice3A_14 : vector<4096x1x32xf32> to vector<4096x32xf32>
    %swap3A_16 = arith.constant 0 : index
    %swap3A_17 = arith.constant 96 : index
    %swap3A_18 = vector.load %arg2[%swap3A_16, %swap3A_17] : memref<4096x128xf32, #tpu.memory_space<vmem>>, vector<4096x32xf32>
    tpu.vector_store %arg2[%swap3A_16, %swap3A_17], %squeeze3A_15 {strides = array<i32>} : memref<4096x128xf32, #tpu.memory_space<vmem>>, vector<4096x32xf32>,
    return
  }
  func.func @transform_0(%arg0: i32) -> (i32, i32) {
    %c0_i32 = arith.constant 0 : i32
    %c0_i32_0 = arith.constant 0 : i32
    return %c0_i32, %arg0 : i32, i32
  }
  func.func @transform_1(%arg0: i32) -> (i32, i32) {
    %c0_i32 = arith.constant 0 : i32
    %c0_i32_0 = arith.constant 0 : i32
    return %arg0, %c0_i32 : i32, i32
  }
}

</mosaic_0001>

<sc_bundles>
// kernel: kernel.4.cloned.1.call-start
scs
__scs_entry_jumppad:
0x0: {  	(pc) =	sbr.rel $0x88, $3  }
0x1: {  	(tag) =	ssettag $0x0;
	lr =	simm.s32 $0x1  }
0x2: {  	[smem:$0x3F9F] =	sst lr;
	_ =	strace $0xD0000000  }
0x3: {  	_ = 	snop  }
0x4: {  	_ = 	snop  }
0x5: {  	_ = 	snop  }
0x6: {  	_ = 	snop  }
0x7: {  	_ = 	snop  }
__scs_overlays_trampoline_lowered:
0x8: {  	[smem:$0x3FAE] =	sst s0  }
0x9: {  	[smem:$0x3FAF] =	sst s1  }
0xa: {  	[smem:$0x3FB0] =	sst s2  }
0xb: {  	[smem:$0x3FB1] =	sst s3  }
0xc: {  	[smem:$0x3FB2] =	sst s4  }
0xd: {  	[smem:$0x3FB3] =	sst s5  }
0xe: {  	[smem:$0x3FB4] =	sst s6  }
0xf: {  	[smem:$0x3FB5] =	sst s7  }
0x10: {  	[smem:$0x3FB6] =	sst s8  }
0x11: {  	[smem:$0x3FB7] =	sst s9;
	s0 =	simm.s32 @!p0 $0x0  }
0x12: {  	s1 =	sld [smem:$0x3F9D];
	s0 =	simm.s32 @p0 $0x1  }
0x13: {  	[smem:$0x3FB8] =	sst s0;
	s0 =	simm.s32 @!p1 $0x0  }
0x14: {  	s2 =	sld [smem:$0x3F9C];
	s0 =	simm.s32 @p1 $0x1  }
0x15: {  	[smem:$0x3FB9] =	sst s0;
	s0 =	simm.s32 @!p2 $0x0  }
0x16: {  	s3 =	sld [smem:$0x3FDB];
	s0 =	simm.s32 @p2 $0x1  }
0x17: {  	s4 =	simm.s32 $0x1BF5;
	[smem:$0x3FBB] =	sst s0  }
0x18: {  	s0 =	sld [smem:$0x3F9E];
	_ =	swait.ge [sflag:s4], $0x0  }
0x19: {  	s7 =	sld [smem:$0x3F9F]  }
0x1a: {  	s8 =	sadd.s32 $0xFFFFE003, lr  }
0x1b: {  	s9 =	sadd.s32 $0xFFFFFEF7, lr;
	s5 =	simm.s32 $0xFFFFFFFF;
	p2 =	slt.u32 s8, $0xFFFFF086  }
0x1c: {  	p1 =	slt.u32 s9, $0xF7A;
	s5 =	simm.s32 @!p2 $0x0  }
0x1d: {  	s5 =	simm.s32 @p1 $0x1;
	p0 =	seq.s32 s7, s2  }
0x1e: {  	s7 =	smul.u32 @!p0 $0xF7A, s2;
	p2 =	seq.s32 @!p0 s5, $0x0  }
0x1f: {  	s9 =	smul.u32 $0xF7A, s1;
	s8 =	simm.s32 @!p0 $0x1BF5;
	p2 =	por !p2, p0  }
0x20: {  	[sflag:s8] =	ssyncset.s32 @!p0 $0xFFFFF086;
	s6 =	sadd.s32 @!p0 s3, s7;
	s7 =	simm.s32 @!p0 $0x108  }
0x21: {  	s3 =	sadd.s32 s3, s9;
	s6 =	sadd.s32 @!p0 $0x88, s6;
	s7 =	simm.s32 @p2 $0x1082  }
0x22: {  	[simem:s7], [sflag:s8] =	dma.local @!p0 [hbm:s6], $0xF7A  }
0x23: {  	s9 =	sor.u32 $0xD0000000, s2;
	s6 =	simm.s32 $0x108;
	_ =	swait.ge @!p0 [sflag:s8], $0x0  }
0x24: {  	s3 =	sadd.s32 $0x88, s3;
	s6 =	simm.s32 @!p1 $0x1082;
	[sflag:s4] =	ssyncset.s32 $0xFFFFF086  }
0x25: {  	[simem:s6], [sflag:s4] =	dma.local [hbm:s3], $0xF7A  }
0x26: {  	[smem:$0x3F9F] =	sst s1;
	(tag) =	ssettag s2;
	_ =	strace s9  }
0x27: {  	s1 =	sld [smem:$0x3FAF]  }
0x28: {  	s2 =	sld [smem:$0x3FB0]  }
0x29: {  	s4 =	sld [smem:$0x3FB2]  }
0x2a: {  	p0 =	seq.s32 s5, $0x0;
	s5 =	sld [smem:$0x3FB3]  }
0x2b: {  	s6 =	sld [smem:$0x3FB4]  }
0x2c: {  	s7 =	sld [smem:$0x3FB5]  }
0x2d: {  	s3 =	simm.s32 $0x108;
	s8 =	sld [smem:$0x3FB6]  }
0x2e: {  	s3 =	simm.s32 @!p0 $0x1082;
	s9 =	sld [smem:$0x3FB7]  }
0x2f: {  	lr =	sadd.s32 s0, s3;
	s0 =	sld [smem:$0x3FAE]  }
0x30: {  	s3 =	sld [smem:$0x3FB1]  }
0x31: {  	[smem:$0x3FBA] =	sst s10  }
0x32: {  	s10 =	sld [smem:$0x3FB8];
	_ =	sdelay $0x3  }
0x33: {  	p0 =	seq.s32 s10, $0x1;
	s10 =	sld [smem:$0x3FBA];
	_ =	sdelay $0x3  }
0x34: {  	[smem:$0x3FBA] =	sst s10  }
0x35: {  	s10 =	sld [smem:$0x3FB9];
	_ =	sdelay $0x3  }
0x36: {  	p1 =	seq.s32 s10, $0x1;
	s10 =	sld [smem:$0x3FBA];
	_ =	sdelay $0x3  }
0x37: {  	[smem:$0x3FBA] =	sst s10  }
0x38: {  	s10 =	sld [smem:$0x3FBB]  }
0x39: {  	_ = 	snop;
	(pc) =	sbr.ind lr, $3  }
0x3a: {  	_ = 	snop  }
0x3b: {  	_ = 	snop  }
0x3c: {  	p2 =	seq.s32 s10, $0x1;
	s10 =	sld [smem:$0x3FBA]  }
0x3d: {  	_ =	shalt  }
0x3e: {  	_ =	shalt  }
0x3f: {  	_ =	shalt  }
0x40: {  	_ =	shalt  }
0x41: {  	_ =	shalt  }
0x42: {  	_ =	shalt  }
0x43: {  	_ =	shalt  }
0x44: {  	_ =	shalt  }
0x45: {  	_ =	shalt  }
0x46: {  	_ =	shalt  }
0x47: {  	_ =	shalt  }
0x48: {  	_ =	shalt  }
0x49: {  	_ =	shalt  }
0x4a: {  	_ =	shalt  }
0x4b: {  	_ =	shalt  }
0x4c: {  	_ =	shalt  }
0x4d: {  	_ =	shalt  }
0x4e: {  	_ =	shalt  }
0x4f: {  	_ =	shalt  }
0x50: {  	_ =	shalt  }
0x51: {  	_ =	shalt  }
0x52: {  	_ =	shalt  }
0x53: {  	_ =	shalt  }
0x54: {  	_ =	shalt  }
0x55: {  	_ =	shalt  }
0x56: {  	_ =	shalt  }
0x57: {  	_ =	shalt  }
0x58: {  	_ =	shalt  }
0x59: {  	_ =	shalt  }
0x5a: {  	_ =	shalt  }
0x5b: {  	_ =	shalt  }
0x5c: {  	_ =	shalt  }
0x5d: {  	_ =	shalt  }
0x5e: {  	_ =	shalt  }
0x5f: {  	_ =	shalt  }
0x60: {  	_ =	shalt  }
0x61: {  	_ =	shalt  }
0x62: {  	_ =	shalt  }
0x63: {  	_ =	shalt  }
0x64: {  	_ =	shalt  }
0x65: {  	_ =	shalt  }
0x66: {  	_ =	shalt  }
0x67: {  	_ =	shalt  }
0x68: {  	_ =	shalt  }
0x69: {  	_ =	shalt  }
0x6a: {  	_ =	shalt  }
0x6b: {  	_ =	shalt  }
0x6c: {  	_ =	shalt  }
0x6d: {  	_ =	shalt  }
0x6e: {  	_ =	shalt  }
0x6f: {  	_ =	shalt  }
0x70: {  	_ =	shalt  }
0x71: {  	_ =	shalt  }
0x72: {  	_ =	shalt  }
0x73: {  	_ =	shalt  }
0x74: {  	_ =	shalt  }
0x75: {  	_ =	shalt  }
0x76: {  	_ =	shalt  }
0x77: {  	_ =	shalt  }
0x78: {  	_ =	shalt  }
0x79: {  	_ =	shalt  }
0x7a: {  	_ =	shalt  }
0x7b: {  	_ =	shalt  }
0x7c: {  	_ =	shalt  }
0x7d: {  	_ =	shalt  }
0x7e: {  	_ =	shalt  }
0x7f: {  	_ =	shalt  }
0x80: {  	_ =	shalt  }
0x81: {  	_ =	shalt  }
0x82: {  	_ =	shalt  }
0x83: {  	_ =	shalt  }
0x84: {  	_ =	shalt  }
0x85: {  	_ =	shalt  }
0x86: {  	_ =	shalt  }
0x87: {  	_ =	shalt  }
.Lfunc_end0:
.L_simem_size_0:
called_computation.1_lowered:
.L_overlay_start_0:
0x88: {  	s2 =	sld [smem:$0x3FD9]  }
0x89: {  	s3 =	sld [smem:$0x3FFE];
	_ =	sdelay $0x1  }
0x8a: {  	s1 =	srdreg.scid  }
0x8b: {  	s0 =	sand.u32 $0x1, s1  }
0x8c: {  	s17 =	sshll.u32 s0, $0xA;
	s2 =	sadd.s32 s3, s2  }
0x8d: {  	s2 =	sadd.s32 s2, s17  }
0x8e: {  	[smem:$0x3FC6] =	sst s2  }
0x8f: {  	_ = 	snop  }
0x90: {  	s2 =	sld [smem:$0x3FD0];
	(tm) =	ssettm $0x1  }
0x91: {  	s18 =	sld [smem:$0x3FFB];
	_ =	sdelay $0x3  }
0x92: {  	_ =	strace s18  }
0x93: {  	s3 =	sld [smem:$0x3FFC];
	_ =	sdelay $0x3  }
0x94: {  	_ =	strace s3  }
0x95: {  	s3 =	sld [smem:$0x3FFD];
	_ =	sdelay $0x3  }
0x96: {  	_ =	strace s3  }
0x97: {  	_ =	strace $0x8FFFFFFF  }
0x98: {  	s19 =	sld [smem:$0x3FDB];
	_ =	sdelay $0x1  }
0x99: {  	s4 =	simm.s32 $_scs_section_size  }
0x9a: {  	s5 =	simm.s32 $_size__tile_overlayer_lowered;
	s6 =	simm.s32 $_tile_overlayer_lowered  }
0x9b: {  	s22 =	simm.s32 $0x1BFF;
	s21 =	sshll.u32 s6, $0x1;
	s3 =	sadd.s32 s4, s19  }
0x9c: {  	s7 =	simm.s32 $0x0;
	s20 =	sshll.u32 s5, $0x1;
	s5 =	sadd.s32 s21, s3  }
0x9d: {  	[timem:s7], [sflag:s22] =	dma.local [hbm:s5], s20  }
0x9e: {  	_ =	swait.ge [sflag:s22], s20  }
0x9f: {  	s4 =	ssub.s32 $0x0, s20;
	[sflag:s22] =	ssyncset.done $0x0  }
0xa0: {  	[sflag:s22] =	ssyncadd.s32 s4;
	_ =	sdelay $0x1  }
0xa1: {  	s23 =	simm.s32 $0x1B8B  }
0xa2: {  	_ =	swait.ge [sflag:s23], $0x1  }
0xa3: {  	[sflag:s23] =	ssyncset.done $0x0  }
0xa4: {  	s25 =	simm.s32 $0x1B8E;
	s24 =	sld [smem:$0x3FFE];
	[sflag:s23] =	ssyncadd.s32 $0xFFFFFFFF  }
0xa5: {  	s26 =	simm.s32 $execute0_lowered;
	[smem:$0x3FD2] =	sst s25  }
0xa6: {  	s5 =	sshll.u32 s26, $0x1;
	_ =	strace $0x80000046;
	[dreg:$0x1] =	wrdreg $0xFFFFFFFF  }
0xa7: {  	s28 =	simm.s32 $_size_execute0_lowered;
	s3 =	sadd.s32 s3, s5;
	[dreg:$0x0] =	wrdreg $0x0  }
0xa8: {  	s5 =	sshll.u32 s28, $0x1;
	[dreg:$0x2] =	wrdreg s3  }
0xa9: {  	[dreg:$0x3] =	wrdreg s5  }
0xaa: {  	[dreg:$0x4] =	wrdreg $0xC0  }
0xab: {  	_ =	task [dreg:s7], $0x5FFFF  }
0xac: {  	[dreg:$0x1] =	wrdreg $0xFFFFFFFF  }
0xad: {  	[dreg:$0x0] =	wrdreg $0x60  }
0xae: {  	[dreg:$0x2] =	wrdreg s24  }
0xaf: {  	[dreg:$0x3] =	wrdreg s2  }
0xb0: {  	[dreg:$0x4] =	wrdreg $0x9  }
0xb1: {  	_ =	task.clear_ibuf [dreg:s7], $0x5FFFF;
	_ =	strace $0x90000046  }
0xb2: {  	s29 =	simm.s32 $0x9;
	_ =	strace $0x80000048  }
0xb3: {  	_ =	swait.ge [sflag:s29], $0x1  }
0xb4: {  	[sflag:s29] =	ssyncadd.s32 $0xFFFFFFFF  }
0xb5: {  	_ =	strace $0x90000048  }
0xb6: {  	_ =	sfence  }
0xb7: {  	s30 =	sld [smem:$0x0];
	_ =	sdelay $0x2  }
0xb8: {  	s31 =	sshll.u32 s1, $0xD;
	s1 =	sshrl.u32 s1, $0x2  }
0xb9: {  	s3 =	sand.u32 $0x4000, s31;
	s1 =	sadd.s32 s1, s30  }
0xba: {  	s0 =	sor.u32 s3, s0;
	s1 =	sshll.u32 s1, $0x11  }
0xbb: {  	s0 =	sor.u32 s1, s0  }
0xbc: {  	s0 =	sadd.s32 $0x8F2B, s0  }
0xbd: {  	[sflag:s0] =	ssyncadd.remote.s32 $0x1  }
0xbe: {  	_ =	sfence.sel $0xFFFF  }
0xbf: {  	[dreg:$0x0] =	wrdreg $0xFFFFFFFF;
	(pc) =	sbr.abs _section_cstart, $3  }
0xc0: {  	[dreg:$0x1] =	wrdreg $0xFFFFFFFF  }
0xc1: {  	_ =	task.clear_ibuf [dreg:s7], $0x2FFFF;
	_ =	strace $0x9FFFFFFF  }
0xc2: {  	(tm) =	ssettm $0x7FFFFFFF  }
0xc3: {  	_ =	shalt  }
tec
execute0_lowered:
.L_overlay_start_1:
0x0: {  	(tag) =	ssettag $0x1  }
0x1: {  	s1 =	srdreg.scid;
	s0 =	stileid.u32  }
0x2: {  	s30 =	sand.u32 $0x1, s1;
	s26 =	sshll.u32 s0, $0x1  }
0x3: {  	s7 =	rddreg [dreg:$0x0];
	s10 =	sor.u32 s30, s26  }
0x4: {  	s29 =	rddreg [dreg:$0x1];
	s2 =	simm.s32 $0x0;
	s28 =	smul.u32 $0x3400, s10  }
0x5: {  	[smem:$0x7FF] =	sst s2  }
0x6: {  	s26 =	sadd.s32 $0x800, s7;
	s3 =	sshrl.u32 s28, $0x3;
	s15 =	sadd.s32 $0x680, s28  }
0x7: {  	_ =	strace $0x80000047;
	s3 =	sadd.s32 s26, s3;
	s4 =	sshrl.u32 s15, $0x3  }
0x8: {  	[tilespmem:s2], [sflag:$0x1] =	stream.linear.gather [hbm4b:s3+s2], $0x680, $0x38;
	[tilespmem:$0x1AD00] =	vst v63  }
0x9: {  	s5 =	simm.s32 $0x680;
	s6 =	simm.s32 $0x1;
	s4 =	sadd.s32 s26, s4  }
0xa: {  	[tilespmem:s5], [sflag:$0x2] =	stream.linear.gather [hbm4b:s4+s2], $0x680, $0x38;
	[tilespmem:$0x1AD00] =	vst v63  }
0xb: {  	_ =	swait.ge [sflag:s6], $0x680  }
0xc: {  	s8 =	simm.s32 $0xD00;
	[sflag:s6] =	ssyncset.done $0x0  }
0xd: {  	s9 =	simm.s32 $0x3;
	s7 =	sadd.s32 $0xD800, s7;
	[sflag:s6] =	ssyncadd.s32 $0xFFFFF980  }
0xe: {  	[tilespmem:s8], [sflag:$0x3] =	stream.indirect.gather [hbm4b:s7+s5], $0x20, s2, s5, $0xb8;
	[tilespmem:$0x1AD00] =	vst v63  }
0xf: {  	s10 =	smul.u32 $0xD000, s10;
	_ =	swait.ge [sflag:s9], $0xD000  }
0x10: {  	s18 =	sadd.s32 $0xD00, s28;
	[sflag:s9] =	ssyncset.done $0x0  }
0x11: {  	s10 =	sadd.s32 s29, s10;
	s11 =	sshrl.u32 s18, $0x3;
	[sflag:s9] =	ssyncadd.s32 $0xFFFF3000  }
0x12: {  	[hbm4b:s10+s2] =	stream.linear.scatter [tilespmem:s8], [sflag:$0x5], $0xD000, $0x38;
	[tilespmem:$0x1AD00] =	vst v63  }
0x13: {  	s12 =	simm.s32 $0x2;
	s11 =	sadd.s32 s26, s11  }
0x14: {  	[tilespmem:s2], [sflag:$0x1] =	stream.linear.gather [hbm4b:s11+s2], $0x680, $0x38;
	[tilespmem:$0x1AD00] =	vst v63  }
0x15: {  	_ =	swait.ge [sflag:s12], $0x680  }
0x16: {  	[sflag:s12] =	ssyncset.done $0x0  }
0x17: {  	s13 =	simm.s32 $0xDD00;
	s14 =	simm.s32 $0x4;
	[sflag:s12] =	ssyncadd.s32 $0xFFFFF980  }
0x18: {  	[tilespmem:s13], [sflag:$0x4] =	stream.indirect.gather [hbm4b:s7+s5], $0x20, s5, s5, $0xb8;
	[tilespmem:$0x1AD00] =	vst v63  }
0x19: {  	_ =	swait.ge [sflag:s14], $0xD000  }
0x1a: {  	s21 =	sadd.s32 $0x1380, s28;
	s15 =	sshll.u32 s15, $0x2;
	[sflag:s14] =	ssyncset.done $0x0  }
0x1b: {  	s16 =	sshrl.u32 s21, $0x3;
	s15 =	sadd.s32 s29, s15;
	[sflag:s14] =	ssyncadd.s32 $0xFFFF3000  }
0x1c: {  	[hbm4b:s15+s2] =	stream.linear.scatter [tilespmem:s13], [sflag:$0x6], $0xD000, $0x38;
	[tilespmem:$0x1AD00] =	vst v63  }
0x1d: {  	s16 =	sadd.s32 s26, s16  }
0x1e: {  	[tilespmem:s5], [sflag:$0x2] =	stream.linear.gather [hbm4b:s16+s2], $0x680, $0x38;
	[tilespmem:$0x1AD00] =	vst v63  }
0x1f: {  	_ =	swait.ge [sflag:s6], $0x680  }
0x20: {  	[sflag:s6] =	ssyncset.done $0x0  }
0x21: {  	s17 =	simm.s32 $0x5;
	[sflag:s6] =	ssyncadd.s32 $0xFFFFF980  }
0x22: {  	_ =	swait.ge [sflag:s17], $0xD000  }
0x23: {  	[sflag:s17] =	ssyncset.done $0x0  }
0x24: {  	[sflag:s17] =	ssyncadd.s32 $0xFFFF3000  }
0x25: {  	[tilespmem:s8], [sflag:$0x3] =	stream.indirect.gather [hbm4b:s7+s5], $0x20, s2, s5, $0xb8;
	[tilespmem:$0x1AD00] =	vst v63  }
0x26: {  	_ =	swait.ge [sflag:s9], $0xD000  }
0x27: {  	s23 =	sadd.s32 $0x1A00, s28;
	s18 =	sshll.u32 s18, $0x2;
	[sflag:s9] =	ssyncset.done $0x0  }
0x28: {  	s19 =	sshrl.u32 s23, $0x3;
	s18 =	sadd.s32 s29, s18;
	[sflag:s9] =	ssyncadd.s32 $0xFFFF3000  }
0x29: {  	[hbm4b:s18+s2] =	stream.linear.scatter [tilespmem:s8], [sflag:$0x5], $0xD000, $0x38;
	[tilespmem:$0x1AD00] =	vst v63  }
0x2a: {  	s19 =	sadd.s32 s26, s19  }
0x2b: {  	[tilespmem:s2], [sflag:$0x1] =	stream.linear.gather [hbm4b:s19+s2], $0x680, $0x38;
	[tilespmem:$0x1AD00] =	vst v63  }
0x2c: {  	_ =	swait.ge [sflag:s12], $0x680  }
0x2d: {  	[sflag:s12] =	ssyncset.done $0x0  }
0x2e: {  	s20 =	simm.s32 $0x6;
	[sflag:s12] =	ssyncadd.s32 $0xFFFFF980  }
0x2f: {  	_ =	swait.ge [sflag:s20], $0xD000  }
0x30: {  	[sflag:s20] =	ssyncset.done $0x0  }
0x31: {  	[sflag:s20] =	ssyncadd.s32 $0xFFFF3000  }
0x32: {  	[tilespmem:s13], [sflag:$0x4] =	stream.indirect.gather [hbm4b:s7+s5], $0x20, s5, s5, $0xb8;
	[tilespmem:$0x1AD00] =	vst v63  }
0x33: {  	_ =	swait.ge [sflag:s14], $0xD000  }
0x34: {  	s25 =	sadd.s32 $0x2080, s28;
	s21 =	sshll.u32 s21, $0x2;
	[sflag:s14] =	ssyncset.done $0x0  }
0x35: {  	s22 =	sshrl.u32 s25, $0x3;
	s21 =	sadd.s32 s29, s21;
	[sflag:s14] =	ssyncadd.s32 $0xFFFF3000  }
0x36: {  	[hbm4b:s21+s2] =	stream.linear.scatter [tilespmem:s13], [sflag:$0x6], $0xD000, $0x38;
	[tilespmem:$0x1AD00] =	vst v63  }
0x37: {  	s22 =	sadd.s32 s26, s22  }
0x38: {  	[tilespmem:s5], [sflag:$0x2] =	stream.linear.gather [hbm4b:s22+s2], $0x680, $0x38;
	[tilespmem:$0x1AD00] =	vst v63  }
0x39: {  	_ =	swait.ge [sflag:s6], $0x680  }
0x3a: {  	[sflag:s6] =	ssyncset.done $0x0  }
0x3b: {  	[sflag:s6] =	ssyncadd.s32 $0xFFFFF980  }
0x3c: {  	_ =	swait.ge [sflag:s17], $0xD000  }
0x3d: {  	[sflag:s17] =	ssyncset.done $0x0  }
0x3e: {  	[sflag:s17] =	ssyncadd.s32 $0xFFFF3000  }
0x3f: {  	[tilespmem:s8], [sflag:$0x3] =	stream.indirect.gather [hbm4b:s7+s5], $0x20, s2, s5, $0xb8;
	[tilespmem:$0x1AD00] =	vst v63  }
0x40: {  	_ =	swait.ge [sflag:s9], $0xD000  }
0x41: {  	s31 =	sadd.s32 $0x2700, s28;
	s23 =	sshll.u32 s23, $0x2;
	[sflag:s9] =	ssyncset.done $0x0  }
0x42: {  	s24 =	sshrl.u32 s31, $0x3;
	s23 =	sadd.s32 s29, s23;
	[sflag:s9] =	ssyncadd.s32 $0xFFFF3000  }
0x43: {  	[hbm4b:s23+s2] =	stream.linear.scatter [tilespmem:s8], [sflag:$0x5], $0xD000, $0x38;
	[tilespmem:$0x1AD00] =	vst v63  }
0x44: {  	s24 =	sadd.s32 s26, s24  }
0x45: {  	[tilespmem:s2], [sflag:$0x1] =	stream.linear.gather [hbm4b:s24+s2], $0x680, $0x38;
	[tilespmem:$0x1AD00] =	vst v63  }
0x46: {  	_ =	swait.ge [sflag:s12], $0x680  }
0x47: {  	[sflag:s12] =	ssyncset.done $0x0  }
0x48: {  	[sflag:s12] =	ssyncadd.s32 $0xFFFFF980  }
0x49: {  	_ =	swait.ge [sflag:s20], $0xD000  }
0x4a: {  	[sflag:s20] =	ssyncset.done $0x0  }
0x4b: {  	[sflag:s20] =	ssyncadd.s32 $0xFFFF3000  }
0x4c: {  	[tilespmem:s13], [sflag:$0x4] =	stream.indirect.gather [hbm4b:s7+s5], $0x20, s5, s5, $0xb8;
	[tilespmem:$0x1AD00] =	vst v63  }
0x4d: {  	_ =	swait.ge [sflag:s14], $0xD000  }
0x4e: {  	s1 =	sadd.s32 $0x2D80, s28;
	s25 =	sshll.u32 s25, $0x2;
	[sflag:s14] =	ssyncset.done $0x0  }
0x4f: {  	s28 =	sshrl.u32 s1, $0x3;
	s25 =	sadd.s32 s29, s25;
	[sflag:s14] =	ssyncadd.s32 $0xFFFF3000  }
0x50: {  	[hbm4b:s25+s2] =	stream.linear.scatter [tilespmem:s13], [sflag:$0x6], $0xD000, $0x38;
	[tilespmem:$0x1AD00] =	vst v63  }
0x51: {  	s26 =	sadd.s32 s26, s28  }
0x52: {  	[tilespmem:s5], [sflag:$0x2] =	stream.linear.gather [hbm4b:s26+s2], $0x680, $0x38;
	[tilespmem:$0x1AD00] =	vst v63  }
0x53: {  	_ =	swait.ge [sflag:s6], $0x680  }
0x54: {  	[sflag:s6] =	ssyncset.done $0x0  }
0x55: {  	[sflag:s6] =	ssyncadd.s32 $0xFFFFF980  }
0x56: {  	_ =	swait.ge [sflag:s17], $0xD000  }
0x57: {  	[sflag:s17] =	ssyncset.done $0x0  }
0x58: {  	[sflag:s17] =	ssyncadd.s32 $0xFFFF3000  }
0x59: {  	[tilespmem:s8], [sflag:$0x3] =	stream.indirect.gather [hbm4b:s7+s5], $0x20, s2, s5, $0xb8;
	[tilespmem:$0x1AD00] =	vst v63  }
0x5a: {  	_ =	swait.ge [sflag:s9], $0xD000  }
0x5b: {  	s28 =	sshll.u32 s31, $0x2;
	[sflag:s9] =	ssyncset.done $0x0  }
0x5c: {  	s28 =	sadd.s32 s29, s28;
	[sflag:s9] =	ssyncadd.s32 $0xFFFF3000  }
0x5d: {  	[hbm4b:s28+s2] =	stream.linear.scatter [tilespmem:s8], [sflag:$0x5], $0xD000, $0x38;
	[tilespmem:$0x1AD00] =	vst v63  }
0x5e: {  	_ =	swait.ge [sflag:s12], $0x680  }
0x5f: {  	[sflag:s12] =	ssyncset.done $0x0  }
0x60: {  	[sflag:s12] =	ssyncadd.s32 $0xFFFFF980  }
0x61: {  	_ =	swait.ge [sflag:s20], $0xD000  }
0x62: {  	s31 =	ssub.s32 $0x2, s30;
	[sflag:s20] =	ssyncset.done $0x0  }
0x63: {  	s1 =	sshll.u32 s1, $0x2;
	s30 =	sshrl.u32 s31, $0x1;
	[sflag:s20] =	ssyncadd.s32 $0xFFFF3000  }
0x64: {  	[tilespmem:s13], [sflag:$0x4] =	stream.indirect.gather [hbm4b:s7+s5], $0x20, s5, s5, $0xb8;
	[tilespmem:$0x1AD00] =	vst v63  }
0x65: {  	s29 =	sadd.s32 s29, s1;
	s1 =	ssub.s32 s31, s30;
	_ =	swait.ge [sflag:s14], $0xD000  }
0x66: {  	s1 =	smax.u32 s1, $0x1;
	[sflag:s14] =	ssyncset.done $0x0  }
0x67: {  	p0 =	sne.s32 s1, $0x1;
	[sflag:s14] =	ssyncadd.s32 $0xFFFF3000  }
0x68: {  	[hbm4b:s29+s2] =	stream.linear.scatter [tilespmem:s13], [sflag:$0x6], $0xD000, $0x38;
	[tilespmem:$0x1AD00] =	vst v63  }
.Ltmp0:
0x69: {  	_ =	swait.ge [sflag:s17], $0xD000;
	(pc) =	sbr.rel @!p0 .LBB2_2-.Ltmp0, $4  }
0x6a: {  	[sflag:s17] =	ssyncset.done $0x0  }
0x6b: {  	[sflag:s17] =	ssyncadd.s32 $0xFFFF3000  }
0x6c: {  	_ =	swait.ge [sflag:s20], $0xD000  }
0x6d: {  	s30 =	sadd.s32 $0xFFFFFFFF, s1;
	[sflag:s20] =	ssyncset.done $0x0  }
.LBB2_1:
0x6e: {  	p0 =	sne.s32 s30, $0x1;
	s30 =	sadd.s32 $0xFFFFFFFF, s30;
	[sflag:s20] =	ssyncadd.s32 $0xFFFF3000  }
0x6f: {  	[tilespmem:s2], [sflag:$0x1] =	stream.linear.gather [hbm4b:s3+s2], $0x680, $0x38;
	[tilespmem:$0x1AD00] =	vst v63  }
0x70: {  	_ = 	snop  }
0x71: {  	[tilespmem:s5], [sflag:$0x2] =	stream.linear.gather [hbm4b:s4+s2], $0x680, $0x38;
	[tilespmem:$0x1AD00] =	vst v63  }
0x72: {  	_ =	swait.ge [sflag:s6], $0x680  }
0x73: {  	[sflag:s6] =	ssyncset.done $0x0  }
0x74: {  	[sflag:s6] =	ssyncadd.s32 $0xFFFFF980  }
0x75: {  	[tilespmem:s8], [sflag:$0x3] =	stream.indirect.gather [hbm4b:s7+s5], $0x20, s2, s5, $0xb8;
	[tilespmem:$0x1AD00] =	vst v63  }
0x76: {  	_ =	swait.ge [sflag:s9], $0xD000  }
0x77: {  	[sflag:s9] =	ssyncset.done $0x0  }
0x78: {  	[sflag:s9] =	ssyncadd.s32 $0xFFFF3000  }
0x79: {  	[hbm4b:s10+s2] =	stream.linear.scatter [tilespmem:s8], [sflag:$0x5], $0xD000, $0x38;
	[tilespmem:$0x1AD00] =	vst v63  }
0x7a: {  	_ = 	snop  }
0x7b: {  	[tilespmem:s2], [sflag:$0x1] =	stream.linear.gather [hbm4b:s11+s2], $0x680, $0x38;
	[tilespmem:$0x1AD00] =	vst v63  }
0x7c: {  	_ =	swait.ge [sflag:s12], $0x680  }
0x7d: {  	[sflag:s12] =	ssyncset.done $0x0  }
0x7e: {  	[sflag:s12] =	ssyncadd.s32 $0xFFFFF980  }
0x7f: {  	[tilespmem:s13], [sflag:$0x4] =	stream.indirect.gather [hbm4b:s7+s5], $0x20, s5, s5, $0xb8;
	[tilespmem:$0x1AD00] =	vst v63  }
0x80: {  	_ =	swait.ge [sflag:s14], $0xD000  }
0x81: {  	[sflag:s14] =	ssyncset.done $0x0  }
0x82: {  	[sflag:s14] =	ssyncadd.s32 $0xFFFF3000  }
0x83: {  	[hbm4b:s15+s2] =	stream.linear.scatter [tilespmem:s13], [sflag:$0x6], $0xD000, $0x38;
	[tilespmem:$0x1AD00] =	vst v63  }
0x84: {  	_ = 	snop  }
0x85: {  	[tilespmem:s5], [sflag:$0x2] =	stream.linear.gather [hbm4b:s16+s2], $0x680, $0x38;
	[tilespmem:$0x1AD00] =	vst v63  }
0x86: {  	_ =	swait.ge [sflag:s6], $0x680  }
0x87: {  	[sflag:s6] =	ssyncset.done $0x0  }
0x88: {  	[sflag:s6] =	ssyncadd.s32 $0xFFFFF980  }
0x89: {  	_ =	swait.ge [sflag:s17], $0xD000  }
0x8a: {  	[sflag:s17] =	ssyncset.done $0x0  }
0x8b: {  	[sflag:s17] =	ssyncadd.s32 $0xFFFF3000  }
0x8c: {  	[tilespmem:s8], [sflag:$0x3] =	stream.indirect.gather [hbm4b:s7+s5], $0x20, s2, s5, $0xb8;
	[tilespmem:$0x1AD00] =	vst v63  }
0x8d: {  	_ =	swait.ge [sflag:s9], $0xD000  }
0x8e: {  	[sflag:s9] =	ssyncset.done $0x0  }
0x8f: {  	[sflag:s9] =	ssyncadd.s32 $0xFFFF3000  }
0x90: {  	[hbm4b:s18+s2] =	stream.linear.scatter [tilespmem:s8], [sflag:$0x5], $0xD000, $0x38;
	[tilespmem:$0x1AD00] =	vst v63  }
0x91: {  	_ = 	snop  }
0x92: {  	[tilespmem:s2], [sflag:$0x1] =	stream.linear.gather [hbm4b:s19+s2], $0x680, $0x38;
	[tilespmem:$0x1AD00] =	vst v63  }
0x93: {  	_ =	swait.ge [sflag:s12], $0x680  }
0x94: {  	[sflag:s12] =	ssyncset.done $0x0  }
0x95: {  	[sflag:s12] =	ssyncadd.s32 $0xFFFFF980  }
0x96: {  	_ =	swait.ge [sflag:s20], $0xD000  }
0x97: {  	[sflag:s20] =	ssyncset.done $0x0  }
0x98: {  	[sflag:s20] =	ssyncadd.s32 $0xFFFF3000  }
0x99: {  	[tilespmem:s13], [sflag:$0x4] =	stream.indirect.gather [hbm4b:s7+s5], $0x20, s5, s5, $0xb8;
	[tilespmem:$0x1AD00] =	vst v63  }
0x9a: {  	_ =	swait.ge [sflag:s14], $0xD000  }
0x9b: {  	[sflag:s14] =	ssyncset.done $0x0  }
0x9c: {  	[sflag:s14] =	ssyncadd.s32 $0xFFFF3000  }
0x9d: {  	[hbm4b:s21+s2] =	stream.linear.scatter [tilespmem:s13], [sflag:$0x6], $0xD000, $0x38;
	[tilespmem:$0x1AD00] =	vst v63  }
0x9e: {  	_ = 	snop  }
0x9f: {  	[tilespmem:s5], [sflag:$0x2] =	stream.linear.gather [hbm4b:s22+s2], $0x680, $0x38;
	[tilespmem:$0x1AD00] =	vst v63  }
0xa0: {  	_ =	swait.ge [sflag:s6], $0x680  }
0xa1: {  	[sflag:s6] =	ssyncset.done $0x0  }
0xa2: {  	[sflag:s6] =	ssyncadd.s32 $0xFFFFF980  }
0xa3: {  	_ =	swait.ge [sflag:s17], $0xD000  }
0xa4: {  	[sflag:s17] =	ssyncset.done $0x0  }
0xa5: {  	[sflag:s17] =	ssyncadd.s32 $0xFFFF3000  }
0xa6: {  	[tilespmem:s8], [sflag:$0x3] =	stream.indirect.gather [hbm4b:s7+s5], $0x20, s2, s5, $0xb8;
	[tilespmem:$0x1AD00] =	vst v63  }
0xa7: {  	_ =	swait.ge [sflag:s9], $0xD000  }
0xa8: {  	[sflag:s9] =	ssyncset.done $0x0  }
0xa9: {  	[sflag:s9] =	ssyncadd.s32 $0xFFFF3000  }
0xaa: {  	[hbm4b:s23+s2] =	stream.linear.scatter [tilespmem:s8], [sflag:$0x5], $0xD000, $0x38;
	[tilespmem:$0x1AD00] =	vst v63  }
0xab: {  	_ = 	snop  }
0xac: {  	[tilespmem:s2], [sflag:$0x1] =	stream.linear.gather [hbm4b:s24+s2], $0x680, $0x38;
	[tilespmem:$0x1AD00] =	vst v63  }
0xad: {  	_ =	swait.ge [sflag:s12], $0x680  }
0xae: {  	[sflag:s12] =	ssyncset.done $0x0  }
0xaf: {  	[sflag:s12] =	ssyncadd.s32 $0xFFFFF980  }
0xb0: {  	_ =	swait.ge [sflag:s20], $0xD000  }
0xb1: {  	[sflag:s20] =	ssyncset.done $0x0  }
0xb2: {  	[sflag:s20] =	ssyncadd.s32 $0xFFFF3000  }
0xb3: {  	[tilespmem:s13], [sflag:$0x4] =	stream.indirect.gather [hbm4b:s7+s5], $0x20, s5, s5, $0xb8;
	[tilespmem:$0x1AD00] =	vst v63  }
0xb4: {  	_ =	swait.ge [sflag:s14], $0xD000  }
0xb5: {  	[sflag:s14] =	ssyncset.done $0x0  }
0xb6: {  	[sflag:s14] =	ssyncadd.s32 $0xFFFF3000  }
0xb7: {  	[hbm4b:s25+s2] =	stream.linear.scatter [tilespmem:s13], [sflag:$0x6], $0xD000, $0x38;
	[tilespmem:$0x1AD00] =	vst v63  }
0xb8: {  	_ = 	snop  }
0xb9: {  	[tilespmem:s5], [sflag:$0x2] =	stream.linear.gather [hbm4b:s26+s2], $0x680, $0x38;
	[tilespmem:$0x1AD00] =	vst v63  }
0xba: {  	_ =	swait.ge [sflag:s6], $0x680  }
0xbb: {  	[sflag:s6] =	ssyncset.done $0x0  }
0xbc: {  	[sflag:s6] =	ssyncadd.s32 $0xFFFFF980  }
0xbd: {  	_ =	swait.ge [sflag:s17], $0xD000  }
0xbe: {  	[sflag:s17] =	ssyncset.done $0x0  }
0xbf: {  	[sflag:s17] =	ssyncadd.s32 $0xFFFF3000  }
0xc0: {  	[tilespmem:s8], [sflag:$0x3] =	stream.indirect.gather [hbm4b:s7+s5], $0x20, s2, s5, $0xb8;
	[tilespmem:$0x1AD00] =	vst v63  }
0xc1: {  	_ =	swait.ge [sflag:s9], $0xD000  }
0xc2: {  	[sflag:s9] =	ssyncset.done $0x0  }
0xc3: {  	[sflag:s9] =	ssyncadd.s32 $0xFFFF3000  }
0xc4: {  	[hbm4b:s28+s2] =	stream.linear.scatter [tilespmem:s8], [sflag:$0x5], $0xD000, $0x38;
	[tilespmem:$0x1AD00] =	vst v63  }
0xc5: {  	_ =	swait.ge [sflag:s12], $0x680  }
0xc6: {  	[sflag:s12] =	ssyncset.done $0x0  }
0xc7: {  	[sflag:s12] =	ssyncadd.s32 $0xFFFFF980  }
0xc8: {  	_ =	swait.ge [sflag:s20], $0xD000  }
0xc9: {  	[sflag:s20] =	ssyncset.done $0x0  }
0xca: {  	[sflag:s20] =	ssyncadd.s32 $0xFFFF3000  }
0xcb: {  	[tilespmem:s13], [sflag:$0x4] =	stream.indirect.gather [hbm4b:s7+s5], $0x20, s5, s5, $0xb8;
	[tilespmem:$0x1AD00] =	vst v63  }
0xcc: {  	_ =	swait.ge [sflag:s14], $0xD000  }
0xcd: {  	[sflag:s14] =	ssyncset.done $0x0  }
0xce: {  	[sflag:s14] =	ssyncadd.s32 $0xFFFF3000  }
0xcf: {  	[hbm4b:s29+s2] =	stream.linear.scatter [tilespmem:s13], [sflag:$0x6], $0xD000, $0x38;
	[tilespmem:$0x1AD00] =	vst v63  }
.Ltmp1:
0xd0: {  	_ =	swait.ge [sflag:s17], $0xD000;
	(pc) =	sbr.rel @p0 .LBB2_1-.Ltmp1, $4  }
0xd1: {  	[sflag:s17] =	ssyncset.done $0x0  }
0xd2: {  	[sflag:s17] =	ssyncadd.s32 $0xFFFF3000  }
0xd3: {  	_ =	swait.ge [sflag:s20], $0xD000  }
0xd4: {  	[sflag:s20] =	ssyncset.done $0x0  }
.LBB2_2:
0xd5: {  	[sflag:s20] =	ssyncadd.s32 $0xFFFF3000  }
0xd6: {  	_ =	sfence.sel $0x180000  }
0xd7: {  	[bflag:$0x0] =	sbarrier.arrive $0xFFFF  }
0xd8: {  	_ =	strace $0x90000047  }
0xd9: {  	[bflag:$0x2] =	sbarrier.arrive $0xFFFF  }
0xda: {  	p0 =	sne.s32 s0, $0x0;
	s0 =	rddreg [dreg:$0x2]  }
0xdb: {  	s0 =	sadd.s32 @!p0 $0x100000, s0  }
0xdc: {  	[sflag:s0] =	ssyncadd.tile.s32 @!p0 $0x1;
	_ =	shalt  }
.Lfunc_end2:
_tile_overlayer_lowered:
.L_overlay_start_2:
0xdd: {  	(tag) =	ssettag $0x2  }
0xde: {  	s0 =	rddreg [dreg:$0x0];
	s2 =	stileid.u32  }
0xdf: {  	s1 =	rddreg [dreg:$0x1];
	p0 =	sne.s32 s2, $0x0  }
0xe0: {  	s3 =	rddreg [dreg:$0x2];
	[bflag:$0x3] =	sbarrier.arrive $0xFFFF;
	s2 =	simm.s32 @!p0 $0x1C07  }
0xe1: {  	[timem:s3], [sflag:s2] =	dma.local @!p0 [hbm:s0], s1  }
0xe2: {  	s0 =	simm.s32 @!p0 $0x7  }
0xe3: {  	_ =	swait.ge @!p0 [sflag:s0], s1  }
0xe4: {  	s1 =	ssub.s32 @!p0 $0x0, s1;
	[sflag:s0] =	ssyncset.done @!p0 $0x0  }
0xe5: {  	[sflag:s0] =	ssyncadd.s32 @!p0 s1  }
0xe6: {  	[bflag:$0x3] =	sbarrier.arrive $0xFFFF  }
0xe7: {  	_ =	shalt  }

// kernel: sparse-core-data-format-call.cloned.1.call-start
scs
called_computation_lowered:
.L_overlay_start_0:
0x0: {  	s2 =	sld [smem:$0x3FD9]  }
0x1: {  	s3 =	sld [smem:$0x3FFE];
	_ =	sdelay $0x1  }
0x2: {  	s1 =	srdreg.scid  }
0x3: {  	s0 =	sand.u32 $0x1, s1  }
0x4: {  	s18 =	sshll.u32 s0, $0xA;
	s2 =	sadd.s32 s3, s2  }
0x5: {  	s2 =	sadd.s32 s2, s18  }
0x6: {  	[smem:$0x3FC6] =	sst s2  }
0x7: {  	_ = 	snop  }
0x8: {  	s2 =	sld [smem:$0x3FD0];
	(tm) =	ssettm $0x1  }
0x9: {  	s19 =	sld [smem:$0x3FFB];
	_ =	sdelay $0x3  }
0xa: {  	_ =	strace s19  }
0xb: {  	s3 =	sld [smem:$0x3FFC];
	_ =	sdelay $0x3  }
0xc: {  	_ =	strace s3  }
0xd: {  	s3 =	sld [smem:$0x3FFD];
	_ =	sdelay $0x3  }
0xe: {  	_ =	strace s3  }
0xf: {  	_ =	strace $0x8FFFFFFF  }
0x10: {  	s20 =	sld [smem:$0x3FDB];
	_ =	sdelay $0x1  }
0x11: {  	s4 =	simm.s32 $_scs_section_size  }
0x12: {  	s5 =	simm.s32 $_size__tile_overlayer_lowered;
	s6 =	simm.s32 $_tile_overlayer_lowered  }
0x13: {  	s23 =	simm.s32 $0x1BFF;
	s22 =	sshll.u32 s6, $0x1;
	s3 =	sadd.s32 s4, s20  }
0x14: {  	s7 =	simm.s32 $0x0;
	s21 =	sshll.u32 s5, $0x1;
	s5 =	sadd.s32 s22, s3  }
0x15: {  	[timem:s7], [sflag:s23] =	dma.local [hbm:s5], s21  }
0x16: {  	_ =	swait.ge [sflag:s23], s21  }
0x17: {  	s4 =	ssub.s32 $0x0, s21;
	[sflag:s23] =	ssyncset.done $0x0  }
0x18: {  	[sflag:s23] =	ssyncadd.s32 s4;
	_ =	sdelay $0x1  }
0x19: {  	s24 =	simm.s32 $0x1B8B  }
0x1a: {  	_ =	swait.ge [sflag:s24], $0x1  }
0x1b: {  	[sflag:s24] =	ssyncset.done $0x0  }
0x1c: {  	s26 =	simm.s32 $0x1B8E;
	s25 =	sld [smem:$0x3FFE];
	[sflag:s24] =	ssyncadd.s32 $0xFFFFFFFF  }
0x1d: {  	s27 =	simm.s32 $execute0_lowered;
	[smem:$0x3FD2] =	sst s26  }
0x1e: {  	s5 =	sshll.u32 s27, $0x1;
	_ =	strace $0x80000049;
	[dreg:$0x1] =	wrdreg $0xFFFFFFFF  }
0x1f: {  	s28 =	simm.s32 $_size_execute0_lowered;
	s3 =	sadd.s32 s3, s5;
	[dreg:$0x0] =	wrdreg $0x0  }
0x20: {  	s5 =	sshll.u32 s28, $0x1;
	[dreg:$0x2] =	wrdreg s3  }
0x21: {  	[dreg:$0x3] =	wrdreg s5  }
0x22: {  	[dreg:$0x4] =	wrdreg $0xC0  }
0x23: {  	_ =	task [dreg:s7], $0x5FFFF  }
0x24: {  	[dreg:$0x1] =	wrdreg $0xFFFFFFFF  }
0x25: {  	[dreg:$0x0] =	wrdreg $0x60  }
0x26: {  	[dreg:$0x2] =	wrdreg s25  }
0x27: {  	[dreg:$0x3] =	wrdreg s2  }
0x28: {  	[dreg:$0x4] =	wrdreg $0x9  }
0x29: {  	_ =	task.clear_ibuf [dreg:s7], $0x5FFFF;
	_ =	strace $0x90000049  }
0x2a: {  	s29 =	simm.s32 $0x9;
	_ =	strace $0x8000004B  }
0x2b: {  	_ =	swait.ge [sflag:s29], $0x1  }
0x2c: {  	[sflag:s29] =	ssyncadd.s32 $0xFFFFFFFF  }
0x2d: {  	_ =	strace $0x9000004B  }
0x2e: {  	_ =	sfence  }
0x2f: {  	s30 =	sld [smem:$0x0];
	_ =	sdelay $0x2  }
0x30: {  	s31 =	sshll.u32 s1, $0xD;
	s1 =	sshrl.u32 s1, $0x2  }
0x31: {  	s3 =	sand.u32 $0x4000, s31;
	s1 =	sadd.s32 s1, s30  }
0x32: {  	s0 =	sor.u32 s3, s0;
	s1 =	sshll.u32 s1, $0x11  }
0x33: {  	s0 =	sor.u32 s1, s0  }
0x34: {  	s0 =	sadd.s32 $0x8F2B, s0  }
0x35: {  	[sflag:s0] =	ssyncadd.remote.s32 $0x1  }
0x36: {  	_ =	sfence.sel $0xFFFF  }
0x37: {  	[dreg:$0x0] =	wrdreg $0xFFFFFFFF;
	(pc) =	sbr.abs _section_cstart, $3  }
0x38: {  	[dreg:$0x1] =	wrdreg $0xFFFFFFFF  }
0x39: {  	_ =	task.clear_ibuf [dreg:s7], $0x2FFFF;
	_ =	strace $0x9FFFFFFF  }
0x3a: {  	(tm) =	ssettm $0x7FFFFFFF  }
0x3b: {  	_ =	shalt  }
tec
execute0_lowered:
.L_overlay_start_1:
0x0: {  	(tag) =	ssettag $0x1  }
0x1: {  	s0 =	srdreg.scid  }
0x2: {  	s1 =	sshll.u32 s0, $0x4  }
0x3: {  	s0 =	stileid.u32;
	s1 =	sand.u32 $0x10, s1  }
0x4: {  	s1 =	sor.u32 s0, s1  }
0x5: {  	s6 =	rddreg [dreg:$0x0];
	s4 =	simm.s32 $0x1;
	s2 =	sshll.u32 s1, $0x7  }
0x6: {  	s7 =	simm.s32 $0x2;
	s12 =	simm.s32 $0x0;
	s1 =	ssub.s32 $0x4000, s2  }
0x7: {  	s8 =	simm.s32 $0x20000;
	s13 =	simm.s32 $0x0;
	s3 =	sand.u32 $0xF80, s1  }
0x8: {  	s9 =	simm.s32 $0x0;
	s5 =	sshrl.u32 s1, $0xC;
	p0 =	sne.s32 s3, $0x0  }
.Ltmp0:
0x9: {  	s1 =	rddreg [dreg:$0x2];
	s4 =	simm.s32 @!p0 $0x0;
	(pc) =	sbr.rel .LBB1_1-.Ltmp0, $4  }
0xa: {  	s11 =	simm.s32 $0x0;
	s3 =	rddreg [dreg:$0x1];
	s5 =	sadd.s32 s4, s5  }
0xb: {  	_ =	strace $0x8000004A;
	s4 =	simm.s32 $0x1;
	s5 =	smul.u32 $0x1A, s5  }
0xc: {  	s6 =	sadd.s32 $0x800, s6;
	s10 =	smov.u32 s2;
	[sflag:s4] =	ssyncpa.u1 $0x0  }
0xd: {  	p0 =	por $0x0, $0x0;
	[sflag:s7] =	ssyncpa.u1 $0x0;
	s7 =	sor.u32 $0x1, s5  }
.LBB1_4:
0xe: {  	s16 =	sshll.u32 s13, $0x3;
	s17 =	sand.u32 $0x78, s13  }
0xf: {  	s30 =	sand.u32 $0xF800, s13;
	s12 =	sshll.u32 s12, $0x10;
	s16 =	sand.u32 $0x3C00, s16  }
0x10: {  	s31 =	sand.u32 $0x7, s13;
	s16 =	sor.u32 s17, s16;
	s17 =	sadd.s32 s3, s30  }
0x11: {  	s13 =	sshll.u32 s31, $0x12;
	s16 =	sshrl.u32 s16, $0x3;
	s12 =	sadd.s32 s12, s17  }
0x12: {  	[tilespmem:s15+$0x0 ss:$0x81] =	vst.msk $0xffff, v0;
	s13 =	sor.u32 $0x400, s13;
	s12 =	sadd.s32 s16, s12  }
0x13: {  	[hbm4b:s12+s13] =	stream.strided.scatter [tilespmem:s14], [sflag:$0x2], $0x1000, s8, s13, $0x20;
	[tilespmem:$0x4040] =	vst v63  }
.LBB1_5:
0x14: {  	s14 =	sadd.s32 $0x1, s9  }
0x15: {  	s12 =	sadd.s32 $0x1000, s10;
	s16 =	smov.u32 s10;
	p2 =	sgt.s32 s14, $0x19  }
0x16: {  	s16 =	smov.u32 @p2 s12  }
0x17: {  	s14 =	simm.s32 @p2 $0x0;
	p2 =	sgt.s32 s16, $0x3FFF  }
0x18: {  	s16 =	smov.u32 @p2 s2;
	p2 =	sne.s32 s11, s7  }
.Ltmp1:
0x19: {  	p1 =	slt.u32 s11, $0x2;
	(pc) =	sbr.rel @!p2 .LBB1_6-.Ltmp1, $4  }
0x1a: {  	s15 =	simm.s32 @!p1 $0x2  }
0x1b: {  	s13 =	smov.u32 s10;
	p0 =	por !p0, !p0;
	_ =	swait.ge @!p1 [sflag:s15], $0x1000  }
0x1c: {  	s12 =	smov.u32 s9;
	[sflag:s15] =	ssyncset.done @!p1 $0x0;
	s9 =	smov.u32 s14  }
0x1d: {  	s11 =	sadd.s32 $0x1, s11;
	[sflag:s15] =	ssyncadd.s32 @!p1 $0xFFFFF000;
	s10 =	smov.u32 s16  }
.LBB1_1:
0x1e: {  	p1 =	sge.u32 s11, s5  }
0x1f: {  	s31 =	sadd.s32 $0xFFFFFFFF, s11;
	s14 =	sxor.u32 @!p1 $0xFFFFFFFF, s11  }
0x20: {  	s15 =	sshll.u32 @!p1 s10, $0x9;
	s16 =	sshll.u32 @!p1 s9, $0x4;
	s17 =	simm.s32 @!p1 $0x1000  }
0x21: {  	s14 =	sshll.u32 @!p1 s14, $0xC;
	s16 =	sand.u32 @!p1 $0x1F0, s16;
	s15 =	sadd.s32 @!p1 s6, s15  }
0x22: {  	s14 =	sand.u32 @!p1 $0x1000, s14;
	s15 =	sadd.s32 @!p1 s16, s15;
	s16 =	simm.s32 @!p1 $0x20  }
0x23: {  	[tilespmem:s14], [sflag:$0x1] =	stream.strided.gather @!p1 [hbm4b:s15+s16], $0x1000, s17, s16, $0x38;
	[tilespmem:$0x4040] =	vst v63  }
0x24: {  	p1 =	sge.u32 s31, s5  }
.Ltmp2:
0x25: {  	_ = 	snop;
	(pc) =	sbr.rel @p1 .LBB1_5-.Ltmp2, $1  }
0x26: {  	_ =	sdelay $0x3  }
0x27: {  	s14 =	simm.s32 $0x1  }
0x28: {  	_ =	swait.ge [sflag:s4], $0x1000;
	s14 =	simm.s32 @!p0 $0x0  }
0x29: {  	[sflag:s4] =	ssyncset.done $0x0;
	s15 =	sshll.u32 s14, $0xC  }
0x2a: {  	[sflag:s4] =	ssyncadd.s32 $0xFFFFF000;
	s18 =	sor.u32 $0x10, s15  }
0x2b: {  	s14 =	smul.u32 $0x4080, s14;
	v1 =	vld [tilespmem:s18+$0x0]  }
0x2c: {  	s30 =	sand.u32 $0x1, s11;
	v0 =	vld [tilespmem:s18+$0xFFFFFFF0]  }
0x2d: {  	s15 =	smul.u32 $0x4080, s30;
	s14 =	sshrl.u32 s14, $0x2  }
0x2e: {  	s16 =	sor.u32 $0x2000, s14  }
0x2f: {  	s31 =	sshrl.u32 s15, $0x2;
	s15 =	sadd.s32 $0x0, s16  }
0x30: {  	s17 =	simm.s32 $0x4;
	s18 =	sadd.s32 $0x20, s18;
	s14 =	sor.u32 $0x2000, s31;
	[tilespmem:s15+$0x810 ss:$0x81] =	vst.msk $0xffff, v1  }
.LBB1_3:
0x31: {  	v1 =	vld [tilespmem:s18+$0x0];
	p1 =	sne.s32 s17, $0x1FC;
	[tilespmem:s15+$0x0 ss:$0x81] =	vst.msk $0xffff, v0;
	s15 =	smov.u32 s17;
	s17 =	sadd.s32 $0x4, s17  }
.Ltmp3:
0x32: {  	v0 =	vld [tilespmem:s18+$0xFFFFFFF0];
	(pc) =	sbr.rel @p1 .LBB1_3-.Ltmp3, $4  }
0x33: {  	_ = 	snop  }
0x34: {  	s15 =	sshra.s32 s15, $0x2  }
0x35: {  	s15 =	sadd.s32 s15, s16  }
0x36: {  	s18 =	sadd.s32 $0x20, s18;
	[tilespmem:s15+$0x810 ss:$0x81] =	vst.msk $0xffff, v1  }
.Ltmp4:
0x37: {  	_ = 	snop;
	(pc) =	sbr.rel .LBB1_4-.Ltmp4, $1  }
0x38: {  	_ =	sdelay $0x3  }
.LBB1_6:
0x39: {  	_ =	sfence.sel $0x180000  }
0x3a: {  	s2 =	simm.s32 $0x1;
	[bflag:$0x0] =	sbarrier.arrive $0xFFFF  }
0x3b: {  	s31 =	simm.s32 $0x2;
	[sflag:s2] =	ssyncpa.u1 $0x1  }
0x3c: {  	[sflag:s31] =	ssyncpa.u1 $0x1  }
0x3d: {  	p0 =	sne.s32 s0, $0x0;
	_ =	strace $0x9000004A  }
0x3e: {  	s0 =	sadd.s32 @!p0 $0x100000, s1;
	[bflag:$0x2] =	sbarrier.arrive $0xFFFF  }
0x3f: {  	[sflag:s0] =	ssyncadd.tile.s32 @!p0 $0x1;
	_ =	shalt  }
.Lfunc_end1:
_tile_overlayer_lowered:
.L_overlay_start_2:
0x40: {  	(tag) =	ssettag $0x2  }
0x41: {  	s0 =	rddreg [dreg:$0x0];
	s2 =	stileid.u32  }
0x42: {  	s1 =	rddreg [dreg:$0x1];
	p0 =	sne.s32 s2, $0x0  }
0x43: {  	s3 =	rddreg [dreg:$0x2];
	[bflag:$0x3] =	sbarrier.arrive $0xFFFF;
	s2 =	simm.s32 @!p0 $0x1C01  }
0x44: {  	[timem:s3], [sflag:s2] =	dma.local @!p0 [hbm:s0], s1  }
0x45: {  	s0 =	simm.s32 @!p0 $0x1  }
0x46: {  	_ =	swait.ge @!p0 [sflag:s0], s1  }
0x47: {  	s1 =	ssub.s32 @!p0 $0x0, s1;
	[sflag:s0] =	ssyncset.done @!p0 $0x0  }
0x48: {  	[sflag:s0] =	ssyncadd.s32 @!p0 s1  }
0x49: {  	[bflag:$0x3] =	sbarrier.arrive $0xFFFF  }
0x4a: {  	_ =	shalt  }

</sc_bundles>
